<compile_context>
chip_gen: v7x
topology: tpu7x:2x2x1
jax: 0.10.2.dev20260603
libtpu: 0.0.44.dev20260713+nightly
codegen_flags: <defaults>
</compile_context>

<pallas_src>
import functools

import jax
import jax.numpy as jnp
from jax import lax
from jax.experimental import pallas as pl
from jax.experimental.pallas import tpu as pltpu
from jax.experimental.pallas import tpu_sc as plsc

_F = 26
_V = 100000
_D = 32
_B = 16384
_NC = 2
_NS = 16
_NW = _NC * _NS
_BPW = _B // _NW
_IPW = _BPW * _F
_CHUNK = 16
_IPS = _CHUNK * _F
_STEPS = _BPW // _CHUNK
_NBUF = 4
_LANES = 16


def _body(x_hbm, t_hbm, out_hbm, idx_v, b0, b1, b2, b3, out_v,
          s0, s1, s2, s3):
    wid = lax.axis_index("s") * _NC + lax.axis_index("c")
    ibase = wid * _IPW

    pltpu.sync_copy(x_hbm.at[pl.ds(ibase, _IPW)], idx_v)

    lane = lax.iota(jnp.int32, _LANES)

    def _off(i, c):
        s = pl.ds(i * _LANES, _LANES)
        pos = i * _LANES + lane
        idx_v[s] = idx_v[s] + lax.rem(pos, _F) * _V
        return c

    lax.fori_loop(0, _IPW // _LANES, _off, 0)

    bufs = (b0, b1, b2, b3)
    sems = (s0, s1, s2, s3)

    def _issue(g, b):
        pltpu.async_copy(
            t_hbm.at[idx_v.at[pl.ds(g * _IPS, _IPS)]], bufs[b], sems[b])

    def _wait(g, b):
        pltpu.make_async_copy(
            t_hbm.at[idx_v.at[pl.ds(g * _IPS, _IPS)]], bufs[b],
            sems[b]).wait()

    def _process(g, b):
        buf = bufs[b]

        def _row(r, c):
            row = r * _F
            orow = g * _CHUNK + r
            a0 = buf[row, pl.ds(0, _LANES)]
            a1 = buf[row, pl.ds(_LANES, _LANES)]
            for f in range(1, _F):
                a0 = a0 + buf[row + f, pl.ds(0, _LANES)]
                a1 = a1 + buf[row + f, pl.ds(_LANES, _LANES)]
            out_v[orow, pl.ds(0, _LANES)] = a0
            out_v[orow, pl.ds(_LANES, _LANES)] = a1
            return c

        lax.fori_loop(0, _CHUNK, _row, 0)

    for b in range(_NBUF):
        _issue(b, b)

    def _outer(k, c):
        g0 = k * _NBUF
        for b in range(_NBUF):
            g = g0 + b
            _wait(g, b)
            _process(g, b)

            @pl.when(g + _NBUF < _STEPS)
            def _():
                _issue(g + _NBUF, b)
        return c

    lax.fori_loop(0, _STEPS // _NBUF, _outer, 0)

    pltpu.sync_copy(out_v, out_hbm.at[pl.ds(wid * _BPW, _BPW)])


@functools.partial(
    pl.kernel,
    out_type=jax.ShapeDtypeStruct((_B, _D), jnp.float32),
    mesh=plsc.VectorSubcoreMesh(core_axis_name="c", subcore_axis_name="s"),
    compiler_params=pltpu.CompilerParams(use_tc_tiling_on_sc=False),
    scratch_types=[
        pltpu.VMEM((_IPW,), jnp.int32),
        pltpu.VMEM((_IPS, _D), jnp.float32),
        pltpu.VMEM((_IPS, _D), jnp.float32),
        pltpu.VMEM((_IPS, _D), jnp.float32),
        pltpu.VMEM((_IPS, _D), jnp.float32),
        pltpu.VMEM((_BPW, _D), jnp.float32),
        pltpu.SemaphoreType.DMA,
        pltpu.SemaphoreType.DMA,
        pltpu.SemaphoreType.DMA,
        pltpu.SemaphoreType.DMA,
    ],
)
def _emb(x_hbm, t_hbm, out_hbm, *scratch):
    _body(x_hbm, t_hbm, out_hbm, *scratch)


def kernel(g, x, tables):
    xf = x.astype(jnp.int32).reshape(_B * _F)
    tf = tables.reshape(_F * _V, _D)
    return _emb(xf, tf)

# --- scband reference (transcript-rebuilt; emitter-appended) ---
"""Pipeline reference for scband-cikmembedding-9062380995365 (READ-ONLY COPY).

The authoritative reference and input builder live on the scoring server;
editing this copy changes nothing except your own understanding.
"""

import jax, jax.numpy as jnp
import numpy as np

NUM_FIELDS = 26
VOCAB = 100000
EMB_DIM = 32
BATCH = 16384


def setup_inputs(seed: int = 0) -> dict:
    key = jax.random.key(seed)
    k1, k2 = jax.random.split(key)
    g = jnp.zeros((1,), dtype=jnp.float32)  # graph placeholder; unused (degree=False)
    x = jax.random.randint(k1, (BATCH, NUM_FIELDS), 0, VOCAB)
    # 26 embedding tables, each [VOCAB, EMB_DIM], stacked into one array
    tables = jax.random.normal(k2, (NUM_FIELDS, VOCAB, EMB_DIM), dtype=jnp.float32) * 0.02
    return {"g": g, "x": x, "tables": tables}


def reference(g, x, tables):
    # CategoricalEmbedding: split x along last dim into per-field index vectors,
    # look up each field's table, stack and sum over fields.
    # tables[i][x[:, i]] for each field i, summed over i.
    per_field = jax.vmap(lambda t, idx: jnp.take(t, idx, axis=0))(tables, x.T)  # [F, B, D]
    h = per_field.sum(axis=0)  # [B, D]
    # degree=False so no degree embedding; perturb is None so no addition.
    return h

if __name__ == "__main__":
    import jax
    _d = setup_inputs()
    print(jax.jit(kernel)(*tuple(_d.values())))

</pallas_src>

<mosaic_0001>
#map = affine_map<(d0, d1) -> (0)>
#map1 = affine_map<(d0, d1) -> (0, 0)>
module attributes {stable_mosaic.version = 14 : i64} {
  func.func @_emb(%arg0: i32, %arg1: i32, %arg2: memref<425984xi32, #tpu.memory_space<hbm>>, %arg3: memref<2600000x32xf32, #tpu.memory_space<hbm>>, %arg4: memref<16384x32xf32, #tpu.memory_space<hbm>>, %arg5: memref<13312xi32, #tpu.memory_space<vmem>>, %arg6: memref<416x32xf32, #tpu.memory_space<vmem>>, %arg7: memref<416x32xf32, #tpu.memory_space<vmem>>, %arg8: memref<416x32xf32, #tpu.memory_space<vmem>>, %arg9: memref<416x32xf32, #tpu.memory_space<vmem>>, %arg10: memref<512x32xf32, #tpu.memory_space<vmem>>, %arg11: memref<!tpu.dma_semaphore, #tpu.memory_space<semaphore_mem>>, %arg12: memref<!tpu.dma_semaphore, #tpu.memory_space<semaphore_mem>>, %arg13: memref<!tpu.dma_semaphore, #tpu.memory_space<semaphore_mem>>, %arg14: memref<!tpu.dma_semaphore, #tpu.memory_space<semaphore_mem>>) attributes {dimension_semantics = [#tpu.dimension_semantics<core_parallel>, #tpu.dimension_semantics<subcore_parallel>], iteration_bounds = array<i64: 2, 16>, scalar_prefetch = 0 : i64, scratch_operands = 10 : i64, tpu.core_type = #tpu.core_type<sc_vector_subcore>, window_params = [{transform_indices = #map}, {transform_indices = #map1}, {transform_indices = #map1}]} {
    %mul3A = arith.constant 2 : i32
    %mul3A_0 = arith.muli %arg1, %mul3A : i32
    %add3A = arith.addi %mul3A_0, %arg0 : i32
    %mul3A_1 = arith.constant 13312 : i32
    %mul3A_2 = arith.muli %add3A, %mul3A_1 : i32
    "tpu.region"() ({
      %run_scoped3A = tpu.sem_alloc : memref<!tpu.dma_semaphore, #tpu.memory_space<semaphore_mem>>
      %dma_start3A_35 = tpu.memref_slice %arg2[%mul3A_2] : memref<425984xi32, #tpu.memory_space<hbm>> -> memref<13312xi32, #tpu.memory_space<hbm>>
      %dma_start3A_36 = tpu.memref_slice %arg2[%mul3A_2] : memref<425984xi32, #tpu.memory_space<hbm>> -> memref<13312xi32, #tpu.memory_space<hbm>>
      tpu.enqueue_dma source(%dma_start3A_36 : memref<13312xi32, #tpu.memory_space<hbm>>) target(%arg5 : memref<13312xi32, #tpu.memory_space<vmem>>) target_semaphore(%run_scoped3A : memref<!tpu.dma_semaphore, #tpu.memory_space<semaphore_mem>>)
      %dma_wait3A = tpu.memref_slice %arg2[%mul3A_2] : memref<425984xi32, #tpu.memory_space<hbm>> -> memref<13312xi32, #tpu.memory_space<hbm>>
      %dma_wait3A_37 = tpu.memref_slice %arg2[%mul3A_2] : memref<425984xi32, #tpu.memory_space<hbm>> -> memref<13312xi32, #tpu.memory_space<hbm>>
      tpu.wait_dma2 semaphore(%run_scoped3A : memref<!tpu.dma_semaphore, #tpu.memory_space<semaphore_mem>>) src(%dma_wait3A_37 : memref<13312xi32, #tpu.memory_space<hbm>>) dst(%arg5 : memref<13312xi32, #tpu.memory_space<vmem>>)
      tpu.yield
    }) : () -> ()
    %iota3A = tpu.iota {dimensions = array<i32: 0>} : vector<16xi32>
    %scan3A = arith.constant 0 : i32
    %scan3A_3 = arith.constant 0 : i32
    %scan3A_4 = arith.constant 832 : i32
    %scan3A_5 = arith.addi %scan3A_3, %scan3A_4 : i32
    %scan3A_6 = arith.constant 1 : i32
    scf.for %scan3A_35 = %scan3A_3 to %scan3A_5 step %scan3A_6  : i32 {
      %mul3A_36 = arith.constant 16 : i32
      %mul3A_37 = arith.muli %scan3A_35, %mul3A_36 : i32
      %mul3A_38 = arith.constant 16 : i32
      %mul3A_39 = arith.muli %scan3A_35, %mul3A_38 : i32
      %add3A_40 = vector.broadcast %mul3A_39 : i32 to vector<16xi32>
      %add3A_41 = arith.addi %add3A_40, %iota3A : vector<16xi32>
      %get3A = arith.index_cast %mul3A_37 : i32 to index
      %get3A_42 = tpu.vector_load %arg5[%get3A] {strides = array<i32>} : memref<13312xi32, #tpu.memory_space<vmem>>, vector<16xi32>,
      %get3A_43 = vector.shape_cast %get3A_42 : vector<16xi32> to vector<16xi32>
      %rem3A = arith.constant 26 : i32
      %rem3A_44 = vector.broadcast %rem3A : i32 to vector<16xi32>
      %rem3A_45 = arith.remsi %add3A_41, %rem3A_44 : vector<16xi32>
      %mul3A_46 = arith.constant 100000 : i32
      %mul3A_47 = vector.broadcast %mul3A_46 : i32 to vector<16xi32>
      %mul3A_48 = arith.muli %rem3A_45, %mul3A_47 : vector<16xi32>
      %add3A_49 = arith.addi %get3A_43, %mul3A_48 : vector<16xi32>
      %swap3A = arith.index_cast %mul3A_37 : i32 to index
      %swap3A_50 = tpu.vector_load %arg5[%swap3A] {strides = array<i32>} : memref<13312xi32, #tpu.memory_space<vmem>>, vector<16xi32>,
      %swap3A_51 = vector.shape_cast %swap3A_50 : vector<16xi32> to vector<16xi32>
      %swap3A_52 = vector.shape_cast %add3A_49 : vector<16xi32> to vector<16xi32>
      tpu.vector_store %arg5[%swap3A], %swap3A_52 {strides = array<i32>} : memref<13312xi32, #tpu.memory_space<vmem>>, vector<16xi32>,
    }
    %scan3A_7 = arith.constant 832 : i32
    %dma_start3A = arith.constant 0 : i32
    %dma_start3A_8 = tpu.memref_slice %arg5[%dma_start3A] : memref<13312xi32, #tpu.memory_space<vmem>> -> memref<416xi32, #tpu.memory_space<vmem>>
    %dma_start3A_9 = arith.constant 0 : i32
    %dma_start3A_10 = arith.constant 0 : i32
    %dma_start3A_11 = tpu.memref_slice %arg3[%dma_start3A_9, %dma_start3A_10] : memref<2600000x32xf32, #tpu.memory_space<hbm>> -> memref<2600000x32xf32, #tpu.memory_space<hbm>>
    tpu.enqueue_indirect_dma source(%dma_start3A_11 : memref<2600000x32xf32, #tpu.memory_space<hbm>>) target(%arg6 : memref<416x32xf32, #tpu.memory_space<vmem>>) offsets(%dma_start3A_8 : memref<416xi32, #tpu.memory_space<vmem>>) semaphore(%arg11 : memref<!tpu.dma_semaphore, #tpu.memory_space<semaphore_mem>>)
    %dma_start3A_12 = arith.constant 416 : i32
    %dma_start3A_13 = tpu.memref_slice %arg5[%dma_start3A_12] : memref<13312xi32, #tpu.memory_space<vmem>> -> memref<416xi32, #tpu.memory_space<vmem>>
    %dma_start3A_14 = arith.constant 0 : i32
    %dma_start3A_15 = arith.constant 0 : i32
    %dma_start3A_16 = tpu.memref_slice %arg3[%dma_start3A_14, %dma_start3A_15] : memref<2600000x32xf32, #tpu.memory_space<hbm>> -> memref<2600000x32xf32, #tpu.memory_space<hbm>>
    tpu.enqueue_indirect_dma source(%dma_start3A_16 : memref<2600000x32xf32, #tpu.memory_space<hbm>>) target(%arg7 : memref<416x32xf32, #tpu.memory_space<vmem>>) offsets(%dma_start3A_13 : memref<416xi32, #tpu.memory_space<vmem>>) semaphore(%arg12 : memref<!tpu.dma_semaphore, #tpu.memory_space<semaphore_mem>>)
    %dma_start3A_17 = arith.constant 832 : i32
    %dma_start3A_18 = tpu.memref_slice %arg5[%dma_start3A_17] : memref<13312xi32, #tpu.memory_space<vmem>> -> memref<416xi32, #tpu.memory_space<vmem>>
    %dma_start3A_19 = arith.constant 0 : i32
    %dma_start3A_20 = arith.constant 0 : i32
    %dma_start3A_21 = tpu.memref_slice %arg3[%dma_start3A_19, %dma_start3A_20] : memref<2600000x32xf32, #tpu.memory_space<hbm>> -> memref<2600000x32xf32, #tpu.memory_space<hbm>>
    tpu.enqueue_indirect_dma source(%dma_start3A_21 : memref<2600000x32xf32, #tpu.memory_space<hbm>>) target(%arg8 : memref<416x32xf32, #tpu.memory_space<vmem>>) offsets(%dma_start3A_18 : memref<416xi32, #tpu.memory_space<vmem>>) semaphore(%arg13 : memref<!tpu.dma_semaphore, #tpu.memory_space<semaphore_mem>>)
    %dma_start3A_22 = arith.constant 1248 : i32
    %dma_start3A_23 = tpu.memref_slice %arg5[%dma_start3A_22] : memref<13312xi32, #tpu.memory_space<vmem>> -> memref<416xi32, #tpu.memory_space<vmem>>
    %dma_start3A_24 = arith.constant 0 : i32
    %dma_start3A_25 = arith.constant 0 : i32
    %dma_start3A_26 = tpu.memref_slice %arg3[%dma_start3A_24, %dma_start3A_25] : memref<2600000x32xf32, #tpu.memory_space<hbm>> -> memref<2600000x32xf32, #tpu.memory_space<hbm>>
    tpu.enqueue_indirect_dma source(%dma_start3A_26 : memref<2600000x32xf32, #tpu.memory_space<hbm>>) target(%arg9 : memref<416x32xf32, #tpu.memory_space<vmem>>) offsets(%dma_start3A_23 : memref<416xi32, #tpu.memory_space<vmem>>) semaphore(%arg14 : memref<!tpu.dma_semaphore, #tpu.memory_space<semaphore_mem>>)
    %scan3A_27 = arith.constant 0 : i32
    %scan3A_28 = arith.constant 0 : i32
    %scan3A_29 = arith.constant 8 : i32
    %scan3A_30 = arith.addi %scan3A_28, %scan3A_29 : i32
    %scan3A_31 = arith.constant 1 : i32
    scf.for %scan3A_35 = %scan3A_28 to %scan3A_30 step %scan3A_31  : i32 {
      %mul3A_36 = arith.constant 4 : i32
      %mul3A_37 = arith.muli %scan3A_35, %mul3A_36 : i32
      %add3A_38 = arith.constant 0 : i32
      %add3A_39 = arith.addi %mul3A_37, %add3A_38 : i32
      %mul3A_40 = arith.constant 416 : i32
      %mul3A_41 = arith.muli %add3A_39, %mul3A_40 : i32
      %dma_wait3A = tpu.memref_slice %arg5[%mul3A_41] : memref<13312xi32, #tpu.memory_space<vmem>> -> memref<416xi32, #tpu.memory_space<vmem>>
      %dma_wait3A_42 = arith.constant 0 : i32
      %dma_wait3A_43 = arith.constant 0 : i32
      %dma_wait3A_44 = tpu.memref_slice %arg3[%dma_wait3A_42, %dma_wait3A_43] : memref<2600000x32xf32, #tpu.memory_space<hbm>> -> memref<2600000x32xf32, #tpu.memory_space<hbm>>
      tpu.wait_indirect_dma semaphore(%arg11 : memref<!tpu.dma_semaphore, #tpu.memory_space<semaphore_mem>>) src(%dma_wait3A_44 : memref<2600000x32xf32, #tpu.memory_space<hbm>>) dst(%arg6 : memref<416x32xf32, #tpu.memory_space<vmem>>)
      %scan3A_45 = arith.constant 0 : i32
      %scan3A_46 = arith.constant 0 : i32
      %scan3A_47 = arith.constant 16 : i32
      %scan3A_48 = arith.addi %scan3A_46, %scan3A_47 : i32
      %scan3A_49 = arith.constant 1 : i32
      scf.for %scan3A_118 = %scan3A_46 to %scan3A_48 step %scan3A_49  : i32 {
        %mul3A_119 = arith.constant 26 : i32
        %mul3A_120 = arith.muli %scan3A_118, %mul3A_119 : i32
        %mul3A_121 = arith.constant 16 : i32
        %mul3A_122 = arith.muli %add3A_39, %mul3A_121 : i32
        %add3A_123 = arith.addi %mul3A_122, %scan3A_118 : i32
        %get3A = arith.index_cast %mul3A_120 : i32 to index
        %get3A_124 = arith.constant 0 : index
        %get3A_125 = tpu.vector_load %arg6[%get3A, %get3A_124] {strides = array<i32>} : memref<416x32xf32, #tpu.memory_space<vmem>>, vector<1x16xf32>,
        %get3A_126 = vector.shape_cast %get3A_125 : vector<1x16xf32> to vector<16xf32>
        %get3A_127 = arith.index_cast %mul3A_120 : i32 to index
        %get3A_128 = arith.constant 16 : index
        %get3A_129 = tpu.vector_load %arg6[%get3A_127, %get3A_128] {strides = array<i32>} : memref<416x32xf32, #tpu.memory_space<vmem>>, vector<1x16xf32>,
        %get3A_130 = vector.shape_cast %get3A_129 : vector<1x16xf32> to vector<16xf32>
        %add3A_131 = arith.constant 1 : i32
        %add3A_132 = arith.addi %mul3A_120, %add3A_131 : i32
        %get3A_133 = arith.index_cast %add3A_132 : i32 to index
        %get3A_134 = arith.constant 0 : index
        %get3A_135 = tpu.vector_load %arg6[%get3A_133, %get3A_134] {strides = array<i32>} : memref<416x32xf32, #tpu.memory_space<vmem>>, vector<1x16xf32>,
        %get3A_136 = vector.shape_cast %get3A_135 : vector<1x16xf32> to vector<16xf32>
        %add3A_137 = arith.addf %get3A_126, %get3A_136 : vector<16xf32>
        %add3A_138 = arith.constant 1 : i32
        %add3A_139 = arith.addi %mul3A_120, %add3A_138 : i32
        %get3A_140 = arith.index_cast %add3A_139 : i32 to index
        %get3A_141 = arith.constant 16 : index
        %get3A_142 = tpu.vector_load %arg6[%get3A_140, %get3A_141] {strides = array<i32>} : memref<416x32xf32, #tpu.memory_space<vmem>>, vector<1x16xf32>,
        %get3A_143 = vector.shape_cast %get3A_142 : vector<1x16xf32> to vector<16xf32>
        %add3A_144 = arith.addf %get3A_130, %get3A_143 : vector<16xf32>
        %add3A_145 = arith.constant 2 : i32
        %add3A_146 = arith.addi %mul3A_120, %add3A_145 : i32
        %get3A_147 = arith.index_cast %add3A_146 : i32 to index
        %get3A_148 = arith.constant 0 : index
        %get3A_149 = tpu.vector_load %arg6[%get3A_147, %get3A_148] {strides = array<i32>} : memref<416x32xf32, #tpu.memory_space<vmem>>, vector<1x16xf32>,
        %get3A_150 = vector.shape_cast %get3A_149 : vector<1x16xf32> to vector<16xf32>
        %add3A_151 = arith.addf %add3A_137, %get3A_150 : vector<16xf32>
        %add3A_152 = arith.constant 2 : i32
        %add3A_153 = arith.addi %mul3A_120, %add3A_152 : i32
        %get3A_154 = arith.index_cast %add3A_153 : i32 to index
        %get3A_155 = arith.constant 16 : index
        %get3A_156 = tpu.vector_load %arg6[%get3A_154, %get3A_155] {strides = array<i32>} : memref<416x32xf32, #tpu.memory_space<vmem>>, vector<1x16xf32>,
        %get3A_157 = vector.shape_cast %get3A_156 : vector<1x16xf32> to vector<16xf32>
        %add3A_158 = arith.addf %add3A_144, %get3A_157 : vector<16xf32>
        %add3A_159 = arith.constant 3 : i32
        %add3A_160 = arith.addi %mul3A_120, %add3A_159 : i32
        %get3A_161 = arith.index_cast %add3A_160 : i32 to index
        %get3A_162 = arith.constant 0 : index
        %get3A_163 = tpu.vector_load %arg6[%get3A_161, %get3A_162] {strides = array<i32>} : memref<416x32xf32, #tpu.memory_space<vmem>>, vector<1x16xf32>,
        %get3A_164 = vector.shape_cast %get3A_163 : vector<1x16xf32> to vector<16xf32>
        %add3A_165 = arith.addf %add3A_151, %get3A_164 : vector<16xf32>
        %add3A_166 = arith.constant 3 : i32
        %add3A_167 = arith.addi %mul3A_120, %add3A_166 : i32
        %get3A_168 = arith.index_cast %add3A_167 : i32 to index
        %get3A_169 = arith.constant 16 : index
        %get3A_170 = tpu.vector_load %arg6[%get3A_168, %get3A_169] {strides = array<i32>} : memref<416x32xf32, #tpu.memory_space<vmem>>, vector<1x16xf32>,
        %get3A_171 = vector.shape_cast %get3A_170 : vector<1x16xf32> to vector<16xf32>
        %add3A_172 = arith.addf %add3A_158, %get3A_171 : vector<16xf32>
        %add3A_173 = arith.constant 4 : i32
        %add3A_174 = arith.addi %mul3A_120, %add3A_173 : i32
        %get3A_175 = arith.index_cast %add3A_174 : i32 to index
        %get3A_176 = arith.constant 0 : index
        %get3A_177 = tpu.vector_load %arg6[%get3A_175, %get3A_176] {strides = array<i32>} : memref<416x32xf32, #tpu.memory_space<vmem>>, vector<1x16xf32>,
        %get3A_178 = vector.shape_cast %get3A_177 : vector<1x16xf32> to vector<16xf32>
        %add3A_179 = arith.addf %add3A_165, %get3A_178 : vector<16xf32>
        %add3A_180 = arith.constant 4 : i32
        %add3A_181 = arith.addi %mul3A_120, %add3A_180 : i32
        %get3A_182 = arith.index_cast %add3A_181 : i32 to index
        %get3A_183 = arith.constant 16 : index
        %get3A_184 = tpu.vector_load %arg6[%get3A_182, %get3A_183] {strides = array<i32>} : memref<416x32xf32, #tpu.memory_space<vmem>>, vector<1x16xf32>,
        %get3A_185 = vector.shape_cast %get3A_184 : vector<1x16xf32> to vector<16xf32>
        %add3A_186 = arith.addf %add3A_172, %get3A_185 : vector<16xf32>
        %add3A_187 = arith.constant 5 : i32
        %add3A_188 = arith.addi %mul3A_120, %add3A_187 : i32
        %get3A_189 = arith.index_cast %add3A_188 : i32 to index
        %get3A_190 = arith.constant 0 : index
        %get3A_191 = tpu.vector_load %arg6[%get3A_189, %get3A_190] {strides = array<i32>} : memref<416x32xf32, #tpu.memory_space<vmem>>, vector<1x16xf32>,
        %get3A_192 = vector.shape_cast %get3A_191 : vector<1x16xf32> to vector<16xf32>
        %add3A_193 = arith.addf %add3A_179, %get3A_192 : vector<16xf32>
        %add3A_194 = arith.constant 5 : i32
        %add3A_195 = arith.addi %mul3A_120, %add3A_194 : i32
        %get3A_196 = arith.index_cast %add3A_195 : i32 to index
        %get3A_197 = arith.constant 16 : index
        %get3A_198 = tpu.vector_load %arg6[%get3A_196, %get3A_197] {strides = array<i32>} : memref<416x32xf32, #tpu.memory_space<vmem>>, vector<1x16xf32>,
        %get3A_199 = vector.shape_cast %get3A_198 : vector<1x16xf32> to vector<16xf32>
        %add3A_200 = arith.addf %add3A_186, %get3A_199 : vector<16xf32>
        %add3A_201 = arith.constant 6 : i32
        %add3A_202 = arith.addi %mul3A_120, %add3A_201 : i32
        %get3A_203 = arith.index_cast %add3A_202 : i32 to index
        %get3A_204 = arith.constant 0 : index
        %get3A_205 = tpu.vector_load %arg6[%get3A_203, %get3A_204] {strides = array<i32>} : memref<416x32xf32, #tpu.memory_space<vmem>>, vector<1x16xf32>,
        %get3A_206 = vector.shape_cast %get3A_205 : vector<1x16xf32> to vector<16xf32>
        %add3A_207 = arith.addf %add3A_193, %get3A_206 : vector<16xf32>
        %add3A_208 = arith.constant 6 : i32
        %add3A_209 = arith.addi %mul3A_120, %add3A_208 : i32
        %get3A_210 = arith.index_cast %add3A_209 : i32 to index
        %get3A_211 = arith.constant 16 : index
        %get3A_212 = tpu.vector_load %arg6[%get3A_210, %get3A_211] {strides = array<i32>} : memref<416x32xf32, #tpu.memory_space<vmem>>, vector<1x16xf32>,
        %get3A_213 = vector.shape_cast %get3A_212 : vector<1x16xf32> to vector<16xf32>
        %add3A_214 = arith.addf %add3A_200, %get3A_213 : vector<16xf32>
        %add3A_215 = arith.constant 7 : i32
        %add3A_216 = arith.addi %mul3A_120, %add3A_215 : i32
        %get3A_217 = arith.index_cast %add3A_216 : i32 to index
        %get3A_218 = arith.constant 0 : index
        %get3A_219 = tpu.vector_load %arg6[%get3A_217, %get3A_218] {strides = array<i32>} : memref<416x32xf32, #tpu.memory_space<vmem>>, vector<1x16xf32>,
        %get3A_220 = vector.shape_cast %get3A_219 : vector<1x16xf32> to vector<16xf32>
        %add3A_221 = arith.addf %add3A_207, %get3A_220 : vector<16xf32>
        %add3A_222 = arith.constant 7 : i32
        %add3A_223 = arith.addi %mul3A_120, %add3A_222 : i32
        %get3A_224 = arith.index_cast %add3A_223 : i32 to index
        %get3A_225 = arith.constant 16 : index
        %get3A_226 = tpu.vector_load %arg6[%get3A_224, %get3A_225] {strides = array<i32>} : memref<416x32xf32, #tpu.memory_space<vmem>>, vector<1x16xf32>,
        %get3A_227 = vector.shape_cast %get3A_226 : vector<1x16xf32> to vector<16xf32>
        %add3A_228 = arith.addf %add3A_214, %get3A_227 : vector<16xf32>
        %add3A_229 = arith.constant 8 : i32
        %add3A_230 = arith.addi %mul3A_120, %add3A_229 : i32
        %get3A_231 = arith.index_cast %add3A_230 : i32 to index
        %get3A_232 = arith.constant 0 : index
        %get3A_233 = tpu.vector_load %arg6[%get3A_231, %get3A_232] {strides = array<i32>} : memref<416x32xf32, #tpu.memory_space<vmem>>, vector<1x16xf32>,
        %get3A_234 = vector.shape_cast %get3A_233 : vector<1x16xf32> to vector<16xf32>
        %add3A_235 = arith.addf %add3A_221, %get3A_234 : vector<16xf32>
        %add3A_236 = arith.constant 8 : i32
        %add3A_237 = arith.addi %mul3A_120, %add3A_236 : i32
        %get3A_238 = arith.index_cast %add3A_237 : i32 to index
        %get3A_239 = arith.constant 16 : index
        %get3A_240 = tpu.vector_load %arg6[%get3A_238, %get3A_239] {strides = array<i32>} : memref<416x32xf32, #tpu.memory_space<vmem>>, vector<1x16xf32>,
        %get3A_241 = vector.shape_cast %get3A_240 : vector<1x16xf32> to vector<16xf32>
        %add3A_242 = arith.addf %add3A_228, %get3A_241 : vector<16xf32>
        %add3A_243 = arith.constant 9 : i32
        %add3A_244 = arith.addi %mul3A_120, %add3A_243 : i32
        %get3A_245 = arith.index_cast %add3A_244 : i32 to index
        %get3A_246 = arith.constant 0 : index
        %get3A_247 = tpu.vector_load %arg6[%get3A_245, %get3A_246] {strides = array<i32>} : memref<416x32xf32, #tpu.memory_space<vmem>>, vector<1x16xf32>,
        %get3A_248 = vector.shape_cast %get3A_247 : vector<1x16xf32> to vector<16xf32>
        %add3A_249 = arith.addf %add3A_235, %get3A_248 : vector<16xf32>
        %add3A_250 = arith.constant 9 : i32
        %add3A_251 = arith.addi %mul3A_120, %add3A_250 : i32
        %get3A_252 = arith.index_cast %add3A_251 : i32 to index
        %get3A_253 = arith.constant 16 : index
        %get3A_254 = tpu.vector_load %arg6[%get3A_252, %get3A_253] {strides = array<i32>} : memref<416x32xf32, #tpu.memory_space<vmem>>, vector<1x16xf32>,
        %get3A_255 = vector.shape_cast %get3A_254 : vector<1x16xf32> to vector<16xf32>
        %add3A_256 = arith.addf %add3A_242, %get3A_255 : vector<16xf32>
        %add3A_257 = arith.constant 10 : i32
        %add3A_258 = arith.addi %mul3A_120, %add3A_257 : i32
        %get3A_259 = arith.index_cast %add3A_258 : i32 to index
        %get3A_260 = arith.constant 0 : index
        %get3A_261 = tpu.vector_load %arg6[%get3A_259, %get3A_260] {strides = array<i32>} : memref<416x32xf32, #tpu.memory_space<vmem>>, vector<1x16xf32>,
        %get3A_262 = vector.shape_cast %get3A_261 : vector<1x16xf32> to vector<16xf32>
        %add3A_263 = arith.addf %add3A_249, %get3A_262 : vector<16xf32>
        %add3A_264 = arith.constant 10 : i32
        %add3A_265 = arith.addi %mul3A_120, %add3A_264 : i32
        %get3A_266 = arith.index_cast %add3A_265 : i32 to index
        %get3A_267 = arith.constant 16 : index
        %get3A_268 = tpu.vector_load %arg6[%get3A_266, %get3A_267] {strides = array<i32>} : memref<416x32xf32, #tpu.memory_space<vmem>>, vector<1x16xf32>,
        %get3A_269 = vector.shape_cast %get3A_268 : vector<1x16xf32> to vector<16xf32>
        %add3A_270 = arith.addf %add3A_256, %get3A_269 : vector<16xf32>
        %add3A_271 = arith.constant 11 : i32
        %add3A_272 = arith.addi %mul3A_120, %add3A_271 : i32
        %get3A_273 = arith.index_cast %add3A_272 : i32 to index
        %get3A_274 = arith.constant 0 : index
        %get3A_275 = tpu.vector_load %arg6[%get3A_273, %get3A_274] {strides = array<i32>} : memref<416x32xf32, #tpu.memory_space<vmem>>, vector<1x16xf32>,
        %get3A_276 = vector.shape_cast %get3A_275 : vector<1x16xf32> to vector<16xf32>
        %add3A_277 = arith.addf %add3A_263, %get3A_276 : vector<16xf32>
        %add3A_278 = arith.constant 11 : i32
        %add3A_279 = arith.addi %mul3A_120, %add3A_278 : i32
        %get3A_280 = arith.index_cast %add3A_279 : i32 to index
        %get3A_281 = arith.constant 16 : index
        %get3A_282 = tpu.vector_load %arg6[%get3A_280, %get3A_281] {strides = array<i32>} : memref<416x32xf32, #tpu.memory_space<vmem>>, vector<1x16xf32>,
        %get3A_283 = vector.shape_cast %get3A_282 : vector<1x16xf32> to vector<16xf32>
        %add3A_284 = arith.addf %add3A_270, %get3A_283 : vector<16xf32>
        %add3A_285 = arith.constant 12 : i32
        %add3A_286 = arith.addi %mul3A_120, %add3A_285 : i32
        %get3A_287 = arith.index_cast %add3A_286 : i32 to index
        %get3A_288 = arith.constant 0 : index
        %get3A_289 = tpu.vector_load %arg6[%get3A_287, %get3A_288] {strides = array<i32>} : memref<416x32xf32, #tpu.memory_space<vmem>>, vector<1x16xf32>,
        %get3A_290 = vector.shape_cast %get3A_289 : vector<1x16xf32> to vector<16xf32>
        %add3A_291 = arith.addf %add3A_277, %get3A_290 : vector<16xf32>
        %add3A_292 = arith.constant 12 : i32
        %add3A_293 = arith.addi %mul3A_120, %add3A_292 : i32
        %get3A_294 = arith.index_cast %add3A_293 : i32 to index
        %get3A_295 = arith.constant 16 : index
        %get3A_296 = tpu.vector_load %arg6[%get3A_294, %get3A_295] {strides = array<i32>} : memref<416x32xf32, #tpu.memory_space<vmem>>, vector<1x16xf32>,
        %get3A_297 = vector.shape_cast %get3A_296 : vector<1x16xf32> to vector<16xf32>
        %add3A_298 = arith.addf %add3A_284, %get3A_297 : vector<16xf32>
        %add3A_299 = arith.constant 13 : i32
        %add3A_300 = arith.addi %mul3A_120, %add3A_299 : i32
        %get3A_301 = arith.index_cast %add3A_300 : i32 to index
        %get3A_302 = arith.constant 0 : index
        %get3A_303 = tpu.vector_load %arg6[%get3A_301, %get3A_302] {strides = array<i32>} : memref<416x32xf32, #tpu.memory_space<vmem>>, vector<1x16xf32>,
        %get3A_304 = vector.shape_cast %get3A_303 : vector<1x16xf32> to vector<16xf32>
        %add3A_305 = arith.addf %add3A_291, %get3A_304 : vector<16xf32>
        %add3A_306 = arith.constant 13 : i32
        %add3A_307 = arith.addi %mul3A_120, %add3A_306 : i32
        %get3A_308 = arith.index_cast %add3A_307 : i32 to index
        %get3A_309 = arith.constant 16 : index
        %get3A_310 = tpu.vector_load %arg6[%get3A_308, %get3A_309] {strides = array<i32>} : memref<416x32xf32, #tpu.memory_space<vmem>>, vector<1x16xf32>,
        %get3A_311 = vector.shape_cast %get3A_310 : vector<1x16xf32> to vector<16xf32>
        %add3A_312 = arith.addf %add3A_298, %get3A_311 : vector<16xf32>
        %add3A_313 = arith.constant 14 : i32
        %add3A_314 = arith.addi %mul3A_120, %add3A_313 : i32
        %get3A_315 = arith.index_cast %add3A_314 : i32 to index
        %get3A_316 = arith.constant 0 : index
        %get3A_317 = tpu.vector_load %arg6[%get3A_315, %get3A_316] {strides = array<i32>} : memref<416x32xf32, #tpu.memory_space<vmem>>, vector<1x16xf32>,
        %get3A_318 = vector.shape_cast %get3A_317 : vector<1x16xf32> to vector<16xf32>
        %add3A_319 = arith.addf %add3A_305, %get3A_318 : vector<16xf32>
        %add3A_320 = arith.constant 14 : i32
        %add3A_321 = arith.addi %mul3A_120, %add3A_320 : i32
        %get3A_322 = arith.index_cast %add3A_321 : i32 to index
        %get3A_323 = arith.constant 16 : index
        %get3A_324 = tpu.vector_load %arg6[%get3A_322, %get3A_323] {strides = array<i32>} : memref<416x32xf32, #tpu.memory_space<vmem>>, vector<1x16xf32>,
        %get3A_325 = vector.shape_cast %get3A_324 : vector<1x16xf32> to vector<16xf32>
        %add3A_326 = arith.addf %add3A_312, %get3A_325 : vector<16xf32>
        %add3A_327 = arith.constant 15 : i32
        %add3A_328 = arith.addi %mul3A_120, %add3A_327 : i32
        %get3A_329 = arith.index_cast %add3A_328 : i32 to index
        %get3A_330 = arith.constant 0 : index
        %get3A_331 = tpu.vector_load %arg6[%get3A_329, %get3A_330] {strides = array<i32>} : memref<416x32xf32, #tpu.memory_space<vmem>>, vector<1x16xf32>,
        %get3A_332 = vector.shape_cast %get3A_331 : vector<1x16xf32> to vector<16xf32>
        %add3A_333 = arith.addf %add3A_319, %get3A_332 : vector<16xf32>
        %add3A_334 = arith.constant 15 : i32
        %add3A_335 = arith.addi %mul3A_120, %add3A_334 : i32
        %get3A_336 = arith.index_cast %add3A_335 : i32 to index
        %get3A_337 = arith.constant 16 : index
        %get3A_338 = tpu.vector_load %arg6[%get3A_336, %get3A_337] {strides = array<i32>} : memref<416x32xf32, #tpu.memory_space<vmem>>, vector<1x16xf32>,
        %get3A_339 = vector.shape_cast %get3A_338 : vector<1x16xf32> to vector<16xf32>
        %add3A_340 = arith.addf %add3A_326, %get3A_339 : vector<16xf32>
        %add3A_341 = arith.constant 16 : i32
        %add3A_342 = arith.addi %mul3A_120, %add3A_341 : i32
        %get3A_343 = arith.index_cast %add3A_342 : i32 to index
        %get3A_344 = arith.constant 0 : index
        %get3A_345 = tpu.vector_load %arg6[%get3A_343, %get3A_344] {strides = array<i32>} : memref<416x32xf32, #tpu.memory_space<vmem>>, vector<1x16xf32>,
        %get3A_346 = vector.shape_cast %get3A_345 : vector<1x16xf32> to vector<16xf32>
        %add3A_347 = arith.addf %add3A_333, %get3A_346 : vector<16xf32>
        %add3A_348 = arith.constant 16 : i32
        %add3A_349 = arith.addi %mul3A_120, %add3A_348 : i32
        %get3A_350 = arith.index_cast %add3A_349 : i32 to index
        %get3A_351 = arith.constant 16 : index
        %get3A_352 = tpu.vector_load %arg6[%get3A_350, %get3A_351] {strides = array<i32>} : memref<416x32xf32, #tpu.memory_space<vmem>>, vector<1x16xf32>,
        %get3A_353 = vector.shape_cast %get3A_352 : vector<1x16xf32> to vector<16xf32>
        %add3A_354 = arith.addf %add3A_340, %get3A_353 : vector<16xf32>
        %add3A_355 = arith.constant 17 : i32
        %add3A_356 = arith.addi %mul3A_120, %add3A_355 : i32
        %get3A_357 = arith.index_cast %add3A_356 : i32 to index
        %get3A_358 = arith.constant 0 : index
        %get3A_359 = tpu.vector_load %arg6[%get3A_357, %get3A_358] {strides = array<i32>} : memref<416x32xf32, #tpu.memory_space<vmem>>, vector<1x16xf32>,
        %get3A_360 = vector.shape_cast %get3A_359 : vector<1x16xf32> to vector<16xf32>
        %add3A_361 = arith.addf %add3A_347, %get3A_360 : vector<16xf32>
        %add3A_362 = arith.constant 17 : i32
        %add3A_363 = arith.addi %mul3A_120, %add3A_362 : i32
        %get3A_364 = arith.index_cast %add3A_363 : i32 to index
        %get3A_365 = arith.constant 16 : index
        %get3A_366 = tpu.vector_load %arg6[%get3A_364, %get3A_365] {strides = array<i32>} : memref<416x32xf32, #tpu.memory_space<vmem>>, vector<1x16xf32>,
        %get3A_367 = vector.shape_cast %get3A_366 : vector<1x16xf32> to vector<16xf32>
        %add3A_368 = arith.addf %add3A_354, %get3A_367 : vector<16xf32>
        %add3A_369 = arith.constant 18 : i32
        %add3A_370 = arith.addi %mul3A_120, %add3A_369 : i32
        %get3A_371 = arith.index_cast %add3A_370 : i32 to index
        %get3A_372 = arith.constant 0 : index
        %get3A_373 = tpu.vector_load %arg6[%get3A_371, %get3A_372] {strides = array<i32>} : memref<416x32xf32, #tpu.memory_space<vmem>>, vector<1x16xf32>,
        %get3A_374 = vector.shape_cast %get3A_373 : vector<1x16xf32> to vector<16xf32>
        %add3A_375 = arith.addf %add3A_361, %get3A_374 : vector<16xf32>
        %add3A_376 = arith.constant 18 : i32
        %add3A_377 = arith.addi %mul3A_120, %add3A_376 : i32
        %get3A_378 = arith.index_cast %add3A_377 : i32 to index
        %get3A_379 = arith.constant 16 : index
        %get3A_380 = tpu.vector_load %arg6[%get3A_378, %get3A_379] {strides = array<i32>} : memref<416x32xf32, #tpu.memory_space<vmem>>, vector<1x16xf32>,
        %get3A_381 = vector.shape_cast %get3A_380 : vector<1x16xf32> to vector<16xf32>
        %add3A_382 = arith.addf %add3A_368, %get3A_381 : vector<16xf32>
        %add3A_383 = arith.constant 19 : i32
        %add3A_384 = arith.addi %mul3A_120, %add3A_383 : i32
        %get3A_385 = arith.index_cast %add3A_384 : i32 to index
        %get3A_386 = arith.constant 0 : index
        %get3A_387 = tpu.vector_load %arg6[%get3A_385, %get3A_386] {strides = array<i32>} : memref<416x32xf32, #tpu.memory_space<vmem>>, vector<1x16xf32>,
        %get3A_388 = vector.shape_cast %get3A_387 : vector<1x16xf32> to vector<16xf32>
        %add3A_389 = arith.addf %add3A_375, %get3A_388 : vector<16xf32>
        %add3A_390 = arith.constant 19 : i32
        %add3A_391 = arith.addi %mul3A_120, %add3A_390 : i32
        %get3A_392 = arith.index_cast %add3A_391 : i32 to index
        %get3A_393 = arith.constant 16 : index
        %get3A_394 = tpu.vector_load %arg6[%get3A_392, %get3A_393] {strides = array<i32>} : memref<416x32xf32, #tpu.memory_space<vmem>>, vector<1x16xf32>,
        %get3A_395 = vector.shape_cast %get3A_394 : vector<1x16xf32> to vector<16xf32>
        %add3A_396 = arith.addf %add3A_382, %get3A_395 : vector<16xf32>
        %add3A_397 = arith.constant 20 : i32
        %add3A_398 = arith.addi %mul3A_120, %add3A_397 : i32
        %get3A_399 = arith.index_cast %add3A_398 : i32 to index
        %get3A_400 = arith.constant 0 : index
        %get3A_401 = tpu.vector_load %arg6[%get3A_399, %get3A_400] {strides = array<i32>} : memref<416x32xf32, #tpu.memory_space<vmem>>, vector<1x16xf32>,
        %get3A_402 = vector.shape_cast %get3A_401 : vector<1x16xf32> to vector<16xf32>
        %add3A_403 = arith.addf %add3A_389, %get3A_402 : vector<16xf32>
        %add3A_404 = arith.constant 20 : i32
        %add3A_405 = arith.addi %mul3A_120, %add3A_404 : i32
        %get3A_406 = arith.index_cast %add3A_405 : i32 to index
        %get3A_407 = arith.constant 16 : index
        %get3A_408 = tpu.vector_load %arg6[%get3A_406, %get3A_407] {strides = array<i32>} : memref<416x32xf32, #tpu.memory_space<vmem>>, vector<1x16xf32>,
        %get3A_409 = vector.shape_cast %get3A_408 : vector<1x16xf32> to vector<16xf32>
        %add3A_410 = arith.addf %add3A_396, %get3A_409 : vector<16xf32>
        %add3A_411 = arith.constant 21 : i32
        %add3A_412 = arith.addi %mul3A_120, %add3A_411 : i32
        %get3A_413 = arith.index_cast %add3A_412 : i32 to index
        %get3A_414 = arith.constant 0 : index
        %get3A_415 = tpu.vector_load %arg6[%get3A_413, %get3A_414] {strides = array<i32>} : memref<416x32xf32, #tpu.memory_space<vmem>>, vector<1x16xf32>,
        %get3A_416 = vector.shape_cast %get3A_415 : vector<1x16xf32> to vector<16xf32>
        %add3A_417 = arith.addf %add3A_403, %get3A_416 : vector<16xf32>
        %add3A_418 = arith.constant 21 : i32
        %add3A_419 = arith.addi %mul3A_120, %add3A_418 : i32
        %get3A_420 = arith.index_cast %add3A_419 : i32 to index
        %get3A_421 = arith.constant 16 : index
        %get3A_422 = tpu.vector_load %arg6[%get3A_420, %get3A_421] {strides = array<i32>} : memref<416x32xf32, #tpu.memory_space<vmem>>, vector<1x16xf32>,
        %get3A_423 = vector.shape_cast %get3A_422 : vector<1x16xf32> to vector<16xf32>
        %add3A_424 = arith.addf %add3A_410, %get3A_423 : vector<16xf32>
        %add3A_425 = arith.constant 22 : i32
        %add3A_426 = arith.addi %mul3A_120, %add3A_425 : i32
        %get3A_427 = arith.index_cast %add3A_426 : i32 to index
        %get3A_428 = arith.constant 0 : index
        %get3A_429 = tpu.vector_load %arg6[%get3A_427, %get3A_428] {strides = array<i32>} : memref<416x32xf32, #tpu.memory_space<vmem>>, vector<1x16xf32>,
        %get3A_430 = vector.shape_cast %get3A_429 : vector<1x16xf32> to vector<16xf32>
        %add3A_431 = arith.addf %add3A_417, %get3A_430 : vector<16xf32>
        %add3A_432 = arith.constant 22 : i32
        %add3A_433 = arith.addi %mul3A_120, %add3A_432 : i32
        %get3A_434 = arith.index_cast %add3A_433 : i32 to index
        %get3A_435 = arith.constant 16 : index
        %get3A_436 = tpu.vector_load %arg6[%get3A_434, %get3A_435] {strides = array<i32>} : memref<416x32xf32, #tpu.memory_space<vmem>>, vector<1x16xf32>,
        %get3A_437 = vector.shape_cast %get3A_436 : vector<1x16xf32> to vector<16xf32>
        %add3A_438 = arith.addf %add3A_424, %get3A_437 : vector<16xf32>
        %add3A_439 = arith.constant 23 : i32
        %add3A_440 = arith.addi %mul3A_120, %add3A_439 : i32
        %get3A_441 = arith.index_cast %add3A_440 : i32 to index
        %get3A_442 = arith.constant 0 : index
        %get3A_443 = tpu.vector_load %arg6[%get3A_441, %get3A_442] {strides = array<i32>} : memref<416x32xf32, #tpu.memory_space<vmem>>, vector<1x16xf32>,
        %get3A_444 = vector.shape_cast %get3A_443 : vector<1x16xf32> to vector<16xf32>
        %add3A_445 = arith.addf %add3A_431, %get3A_444 : vector<16xf32>
        %add3A_446 = arith.constant 23 : i32
        %add3A_447 = arith.addi %mul3A_120, %add3A_446 : i32
        %get3A_448 = arith.index_cast %add3A_447 : i32 to index
        %get3A_449 = arith.constant 16 : index
        %get3A_450 = tpu.vector_load %arg6[%get3A_448, %get3A_449] {strides = array<i32>} : memref<416x32xf32, #tpu.memory_space<vmem>>, vector<1x16xf32>,
        %get3A_451 = vector.shape_cast %get3A_450 : vector<1x16xf32> to vector<16xf32>
        %add3A_452 = arith.addf %add3A_438, %get3A_451 : vector<16xf32>
        %add3A_453 = arith.constant 24 : i32
        %add3A_454 = arith.addi %mul3A_120, %add3A_453 : i32
        %get3A_455 = arith.index_cast %add3A_454 : i32 to index
        %get3A_456 = arith.constant 0 : index
        %get3A_457 = tpu.vector_load %arg6[%get3A_455, %get3A_456] {strides = array<i32>} : memref<416x32xf32, #tpu.memory_space<vmem>>, vector<1x16xf32>,
        %get3A_458 = vector.shape_cast %get3A_457 : vector<1x16xf32> to vector<16xf32>
        %add3A_459 = arith.addf %add3A_445, %get3A_458 : vector<16xf32>
        %add3A_460 = arith.constant 24 : i32
        %add3A_461 = arith.addi %mul3A_120, %add3A_460 : i32
        %get3A_462 = arith.index_cast %add3A_461 : i32 to index
        %get3A_463 = arith.constant 16 : index
        %get3A_464 = tpu.vector_load %arg6[%get3A_462, %get3A_463] {strides = array<i32>} : memref<416x32xf32, #tpu.memory_space<vmem>>, vector<1x16xf32>,
        %get3A_465 = vector.shape_cast %get3A_464 : vector<1x16xf32> to vector<16xf32>
        %add3A_466 = arith.addf %add3A_452, %get3A_465 : vector<16xf32>
        %add3A_467 = arith.constant 25 : i32
        %add3A_468 = arith.addi %mul3A_120, %add3A_467 : i32
        %get3A_469 = arith.index_cast %add3A_468 : i32 to index
        %get3A_470 = arith.constant 0 : index
        %get3A_471 = tpu.vector_load %arg6[%get3A_469, %get3A_470] {strides = array<i32>} : memref<416x32xf32, #tpu.memory_space<vmem>>, vector<1x16xf32>,
        %get3A_472 = vector.shape_cast %get3A_471 : vector<1x16xf32> to vector<16xf32>
        %add3A_473 = arith.addf %add3A_459, %get3A_472 : vector<16xf32>
        %add3A_474 = arith.constant 25 : i32
        %add3A_475 = arith.addi %mul3A_120, %add3A_474 : i32
        %get3A_476 = arith.index_cast %add3A_475 : i32 to index
        %get3A_477 = arith.constant 16 : index
        %get3A_478 = tpu.vector_load %arg6[%get3A_476, %get3A_477] {strides = array<i32>} : memref<416x32xf32, #tpu.memory_space<vmem>>, vector<1x16xf32>,
        %get3A_479 = vector.shape_cast %get3A_478 : vector<1x16xf32> to vector<16xf32>
        %add3A_480 = arith.addf %add3A_466, %get3A_479 : vector<16xf32>
        %swap3A = arith.index_cast %add3A_123 : i32 to index
        %swap3A_481 = arith.constant 0 : index
        %swap3A_482 = tpu.vector_load %arg10[%swap3A, %swap3A_481] {strides = array<i32>} : memref<512x32xf32, #tpu.memory_space<vmem>>, vector<1x16xf32>,
        %swap3A_483 = vector.shape_cast %swap3A_482 : vector<1x16xf32> to vector<16xf32>
        %swap3A_484 = vector.shape_cast %add3A_473 : vector<16xf32> to vector<1x16xf32>
        tpu.vector_store %arg10[%swap3A, %swap3A_481], %swap3A_484 {strides = array<i32>} : memref<512x32xf32, #tpu.memory_space<vmem>>, vector<1x16xf32>,
        %swap3A_485 = arith.index_cast %add3A_123 : i32 to index
        %swap3A_486 = arith.constant 16 : index
        %swap3A_487 = tpu.vector_load %arg10[%swap3A_485, %swap3A_486] {strides = array<i32>} : memref<512x32xf32, #tpu.memory_space<vmem>>, vector<1x16xf32>,
        %swap3A_488 = vector.shape_cast %swap3A_487 : vector<1x16xf32> to vector<16xf32>
        %swap3A_489 = vector.shape_cast %add3A_480 : vector<16xf32> to vector<1x16xf32>
        tpu.vector_store %arg10[%swap3A_485, %swap3A_486], %swap3A_489 {strides = array<i32>} : memref<512x32xf32, #tpu.memory_space<vmem>>, vector<1x16xf32>,
      }
      %scan3A_50 = arith.constant 16 : i32
      %add3A_51 = arith.constant 4 : i32
      %add3A_52 = arith.addi %add3A_39, %add3A_51 : i32
      %lt3A = arith.constant 32 : i32
      %lt3A_53 = arith.cmpi slt, %add3A_52, %lt3A : i32
      %convert_element_type3A = arith.extui %lt3A_53 : i1 to i32
      %cond3A = arith.constant 0 : i32
      %cond3A_54 = arith.cmpi ne, %convert_element_type3A, %cond3A : i32
      scf.if %cond3A_54 {
        %add3A_118 = arith.constant 4 : i32
        %add3A_119 = arith.addi %add3A_39, %add3A_118 : i32
        %mul3A_120 = arith.constant 416 : i32
        %mul3A_121 = arith.muli %add3A_119, %mul3A_120 : i32
        %dma_start3A_122 = tpu.memref_slice %arg5[%mul3A_121] : memref<13312xi32, #tpu.memory_space<vmem>> -> memref<416xi32, #tpu.memory_space<vmem>>
        %dma_start3A_123 = arith.constant 0 : i32
        %dma_start3A_124 = arith.constant 0 : i32
        %dma_start3A_125 = tpu.memref_slice %arg3[%dma_start3A_123, %dma_start3A_124] : memref<2600000x32xf32, #tpu.memory_space<hbm>> -> memref<2600000x32xf32, #tpu.memory_space<hbm>>
        tpu.enqueue_indirect_dma source(%dma_start3A_125 : memref<2600000x32xf32, #tpu.memory_space<hbm>>) target(%arg6 : memref<416x32xf32, #tpu.memory_space<vmem>>) offsets(%dma_start3A_122 : memref<416xi32, #tpu.memory_space<vmem>>) semaphore(%arg11 : memref<!tpu.dma_semaphore, #tpu.memory_space<semaphore_mem>>)
      } else {
      }
      %add3A_55 = arith.constant 1 : i32
      %add3A_56 = arith.addi %mul3A_37, %add3A_55 : i32
      %mul3A_57 = arith.constant 416 : i32
      %mul3A_58 = arith.muli %add3A_56, %mul3A_57 : i32
      %dma_wait3A_59 = tpu.memref_slice %arg5[%mul3A_58] : memref<13312xi32, #tpu.memory_space<vmem>> -> memref<416xi32, #tpu.memory_space<vmem>>
      %dma_wait3A_60 = arith.constant 0 : i32
      %dma_wait3A_61 = arith.constant 0 : i32
      %dma_wait3A_62 = tpu.memref_slice %arg3[%dma_wait3A_60, %dma_wait3A_61] : memref<2600000x32xf32, #tpu.memory_space<hbm>> -> memref<2600000x32xf32, #tpu.memory_space<hbm>>
      tpu.wait_indirect_dma semaphore(%arg12 : memref<!tpu.dma_semaphore, #tpu.memory_space<semaphore_mem>>) src(%dma_wait3A_62 : memref<2600000x32xf32, #tpu.memory_space<hbm>>) dst(%arg7 : memref<416x32xf32, #tpu.memory_space<vmem>>)
      %scan3A_63 = arith.constant 0 : i32
      %scan3A_64 = arith.constant 0 : i32
      %scan3A_65 = arith.constant 16 : i32
      %scan3A_66 = arith.addi %scan3A_64, %scan3A_65 : i32
      %scan3A_67 = arith.constant 1 : i32
      scf.for %scan3A_118 = %scan3A_64 to %scan3A_66 step %scan3A_67  : i32 {
        %mul3A_119 = arith.constant 26 : i32
        %mul3A_120 = arith.muli %scan3A_118, %mul3A_119 : i32
        %mul3A_121 = arith.constant 16 : i32
        %mul3A_122 = arith.muli %add3A_56, %mul3A_121 : i32
        %add3A_123 = arith.addi %mul3A_122, %scan3A_118 : i32
        %get3A = arith.index_cast %mul3A_120 : i32 to index
        %get3A_124 = arith.constant 0 : index
        %get3A_125 = tpu.vector_load %arg7[%get3A, %get3A_124] {strides = array<i32>} : memref<416x32xf32, #tpu.memory_space<vmem>>, vector<1x16xf32>,
        %get3A_126 = vector.shape_cast %get3A_125 : vector<1x16xf32> to vector<16xf32>
        %get3A_127 = arith.index_cast %mul3A_120 : i32 to index
        %get3A_128 = arith.constant 16 : index
        %get3A_129 = tpu.vector_load %arg7[%get3A_127, %get3A_128] {strides = array<i32>} : memref<416x32xf32, #tpu.memory_space<vmem>>, vector<1x16xf32>,
        %get3A_130 = vector.shape_cast %get3A_129 : vector<1x16xf32> to vector<16xf32>
        %add3A_131 = arith.constant 1 : i32
        %add3A_132 = arith.addi %mul3A_120, %add3A_131 : i32
        %get3A_133 = arith.index_cast %add3A_132 : i32 to index
        %get3A_134 = arith.constant 0 : index
        %get3A_135 = tpu.vector_load %arg7[%get3A_133, %get3A_134] {strides = array<i32>} : memref<416x32xf32, #tpu.memory_space<vmem>>, vector<1x16xf32>,
        %get3A_136 = vector.shape_cast %get3A_135 : vector<1x16xf32> to vector<16xf32>
        %add3A_137 = arith.addf %get3A_126, %get3A_136 : vector<16xf32>
        %add3A_138 = arith.constant 1 : i32
        %add3A_139 = arith.addi %mul3A_120, %add3A_138 : i32
        %get3A_140 = arith.index_cast %add3A_139 : i32 to index
        %get3A_141 = arith.constant 16 : index
        %get3A_142 = tpu.vector_load %arg7[%get3A_140, %get3A_141] {strides = array<i32>} : memref<416x32xf32, #tpu.memory_space<vmem>>, vector<1x16xf32>,
        %get3A_143 = vector.shape_cast %get3A_142 : vector<1x16xf32> to vector<16xf32>
        %add3A_144 = arith.addf %get3A_130, %get3A_143 : vector<16xf32>
        %add3A_145 = arith.constant 2 : i32
        %add3A_146 = arith.addi %mul3A_120, %add3A_145 : i32
        %get3A_147 = arith.index_cast %add3A_146 : i32 to index
        %get3A_148 = arith.constant 0 : index
        %get3A_149 = tpu.vector_load %arg7[%get3A_147, %get3A_148] {strides = array<i32>} : memref<416x32xf32, #tpu.memory_space<vmem>>, vector<1x16xf32>,
        %get3A_150 = vector.shape_cast %get3A_149 : vector<1x16xf32> to vector<16xf32>
        %add3A_151 = arith.addf %add3A_137, %get3A_150 : vector<16xf32>
        %add3A_152 = arith.constant 2 : i32
        %add3A_153 = arith.addi %mul3A_120, %add3A_152 : i32
        %get3A_154 = arith.index_cast %add3A_153 : i32 to index
        %get3A_155 = arith.constant 16 : index
        %get3A_156 = tpu.vector_load %arg7[%get3A_154, %get3A_155] {strides = array<i32>} : memref<416x32xf32, #tpu.memory_space<vmem>>, vector<1x16xf32>,
        %get3A_157 = vector.shape_cast %get3A_156 : vector<1x16xf32> to vector<16xf32>
        %add3A_158 = arith.addf %add3A_144, %get3A_157 : vector<16xf32>
        %add3A_159 = arith.constant 3 : i32
        %add3A_160 = arith.addi %mul3A_120, %add3A_159 : i32
        %get3A_161 = arith.index_cast %add3A_160 : i32 to index
        %get3A_162 = arith.constant 0 : index
        %get3A_163 = tpu.vector_load %arg7[%get3A_161, %get3A_162] {strides = array<i32>} : memref<416x32xf32, #tpu.memory_space<vmem>>, vector<1x16xf32>,
        %get3A_164 = vector.shape_cast %get3A_163 : vector<1x16xf32> to vector<16xf32>
        %add3A_165 = arith.addf %add3A_151, %get3A_164 : vector<16xf32>
        %add3A_166 = arith.constant 3 : i32
        %add3A_167 = arith.addi %mul3A_120, %add3A_166 : i32
        %get3A_168 = arith.index_cast %add3A_167 : i32 to index
        %get3A_169 = arith.constant 16 : index
        %get3A_170 = tpu.vector_load %arg7[%get3A_168, %get3A_169] {strides = array<i32>} : memref<416x32xf32, #tpu.memory_space<vmem>>, vector<1x16xf32>,
        %get3A_171 = vector.shape_cast %get3A_170 : vector<1x16xf32> to vector<16xf32>
        %add3A_172 = arith.addf %add3A_158, %get3A_171 : vector<16xf32>
        %add3A_173 = arith.constant 4 : i32
        %add3A_174 = arith.addi %mul3A_120, %add3A_173 : i32
        %get3A_175 = arith.index_cast %add3A_174 : i32 to index
        %get3A_176 = arith.constant 0 : index
        %get3A_177 = tpu.vector_load %arg7[%get3A_175, %get3A_176] {strides = array<i32>} : memref<416x32xf32, #tpu.memory_space<vmem>>, vector<1x16xf32>,
        %get3A_178 = vector.shape_cast %get3A_177 : vector<1x16xf32> to vector<16xf32>
        %add3A_179 = arith.addf %add3A_165, %get3A_178 : vector<16xf32>
        %add3A_180 = arith.constant 4 : i32
        %add3A_181 = arith.addi %mul3A_120, %add3A_180 : i32
        %get3A_182 = arith.index_cast %add3A_181 : i32 to index
        %get3A_183 = arith.constant 16 : index
        %get3A_184 = tpu.vector_load %arg7[%get3A_182, %get3A_183] {strides = array<i32>} : memref<416x32xf32, #tpu.memory_space<vmem>>, vector<1x16xf32>,
        %get3A_185 = vector.shape_cast %get3A_184 : vector<1x16xf32> to vector<16xf32>
        %add3A_186 = arith.addf %add3A_172, %get3A_185 : vector<16xf32>
        %add3A_187 = arith.constant 5 : i32
        %add3A_188 = arith.addi %mul3A_120, %add3A_187 : i32
        %get3A_189 = arith.index_cast %add3A_188 : i32 to index
        %get3A_190 = arith.constant 0 : index
        %get3A_191 = tpu.vector_load %arg7[%get3A_189, %get3A_190] {strides = array<i32>} : memref<416x32xf32, #tpu.memory_space<vmem>>, vector<1x16xf32>,
        %get3A_192 = vector.shape_cast %get3A_191 : vector<1x16xf32> to vector<16xf32>
        %add3A_193 = arith.addf %add3A_179, %get3A_192 : vector<16xf32>
        %add3A_194 = arith.constant 5 : i32
        %add3A_195 = arith.addi %mul3A_120, %add3A_194 : i32
        %get3A_196 = arith.index_cast %add3A_195 : i32 to index
        %get3A_197 = arith.constant 16 : index
        %get3A_198 = tpu.vector_load %arg7[%get3A_196, %get3A_197] {strides = array<i32>} : memref<416x32xf32, #tpu.memory_space<vmem>>, vector<1x16xf32>,
        %get3A_199 = vector.shape_cast %get3A_198 : vector<1x16xf32> to vector<16xf32>
        %add3A_200 = arith.addf %add3A_186, %get3A_199 : vector<16xf32>
        %add3A_201 = arith.constant 6 : i32
        %add3A_202 = arith.addi %mul3A_120, %add3A_201 : i32
        %get3A_203 = arith.index_cast %add3A_202 : i32 to index
        %get3A_204 = arith.constant 0 : index
        %get3A_205 = tpu.vector_load %arg7[%get3A_203, %get3A_204] {strides = array<i32>} : memref<416x32xf32, #tpu.memory_space<vmem>>, vector<1x16xf32>,
        %get3A_206 = vector.shape_cast %get3A_205 : vector<1x16xf32> to vector<16xf32>
        %add3A_207 = arith.addf %add3A_193, %get3A_206 : vector<16xf32>
        %add3A_208 = arith.constant 6 : i32
        %add3A_209 = arith.addi %mul3A_120, %add3A_208 : i32
        %get3A_210 = arith.index_cast %add3A_209 : i32 to index
        %get3A_211 = arith.constant 16 : index
        %get3A_212 = tpu.vector_load %arg7[%get3A_210, %get3A_211] {strides = array<i32>} : memref<416x32xf32, #tpu.memory_space<vmem>>, vector<1x16xf32>,
        %get3A_213 = vector.shape_cast %get3A_212 : vector<1x16xf32> to vector<16xf32>
        %add3A_214 = arith.addf %add3A_200, %get3A_213 : vector<16xf32>
        %add3A_215 = arith.constant 7 : i32
        %add3A_216 = arith.addi %mul3A_120, %add3A_215 : i32
        %get3A_217 = arith.index_cast %add3A_216 : i32 to index
        %get3A_218 = arith.constant 0 : index
        %get3A_219 = tpu.vector_load %arg7[%get3A_217, %get3A_218] {strides = array<i32>} : memref<416x32xf32, #tpu.memory_space<vmem>>, vector<1x16xf32>,
        %get3A_220 = vector.shape_cast %get3A_219 : vector<1x16xf32> to vector<16xf32>
        %add3A_221 = arith.addf %add3A_207, %get3A_220 : vector<16xf32>
        %add3A_222 = arith.constant 7 : i32
        %add3A_223 = arith.addi %mul3A_120, %add3A_222 : i32
        %get3A_224 = arith.index_cast %add3A_223 : i32 to index
        %get3A_225 = arith.constant 16 : index
        %get3A_226 = tpu.vector_load %arg7[%get3A_224, %get3A_225] {strides = array<i32>} : memref<416x32xf32, #tpu.memory_space<vmem>>, vector<1x16xf32>,
        %get3A_227 = vector.shape_cast %get3A_226 : vector<1x16xf32> to vector<16xf32>
        %add3A_228 = arith.addf %add3A_214, %get3A_227 : vector<16xf32>
        %add3A_229 = arith.constant 8 : i32
        %add3A_230 = arith.addi %mul3A_120, %add3A_229 : i32
        %get3A_231 = arith.index_cast %add3A_230 : i32 to index
        %get3A_232 = arith.constant 0 : index
        %get3A_233 = tpu.vector_load %arg7[%get3A_231, %get3A_232] {strides = array<i32>} : memref<416x32xf32, #tpu.memory_space<vmem>>, vector<1x16xf32>,
        %get3A_234 = vector.shape_cast %get3A_233 : vector<1x16xf32> to vector<16xf32>
        %add3A_235 = arith.addf %add3A_221, %get3A_234 : vector<16xf32>
        %add3A_236 = arith.constant 8 : i32
        %add3A_237 = arith.addi %mul3A_120, %add3A_236 : i32
        %get3A_238 = arith.index_cast %add3A_237 : i32 to index
        %get3A_239 = arith.constant 16 : index
        %get3A_240 = tpu.vector_load %arg7[%get3A_238, %get3A_239] {strides = array<i32>} : memref<416x32xf32, #tpu.memory_space<vmem>>, vector<1x16xf32>,
        %get3A_241 = vector.shape_cast %get3A_240 : vector<1x16xf32> to vector<16xf32>
        %add3A_242 = arith.addf %add3A_228, %get3A_241 : vector<16xf32>
        %add3A_243 = arith.constant 9 : i32
        %add3A_244 = arith.addi %mul3A_120, %add3A_243 : i32
        %get3A_245 = arith.index_cast %add3A_244 : i32 to index
        %get3A_246 = arith.constant 0 : index
        %get3A_247 = tpu.vector_load %arg7[%get3A_245, %get3A_246] {strides = array<i32>} : memref<416x32xf32, #tpu.memory_space<vmem>>, vector<1x16xf32>,
        %get3A_248 = vector.shape_cast %get3A_247 : vector<1x16xf32> to vector<16xf32>
        %add3A_249 = arith.addf %add3A_235, %get3A_248 : vector<16xf32>
        %add3A_250 = arith.constant 9 : i32
        %add3A_251 = arith.addi %mul3A_120, %add3A_250 : i32
        %get3A_252 = arith.index_cast %add3A_251 : i32 to index
        %get3A_253 = arith.constant 16 : index
        %get3A_254 = tpu.vector_load %arg7[%get3A_252, %get3A_253] {strides = array<i32>} : memref<416x32xf32, #tpu.memory_space<vmem>>, vector<1x16xf32>,
        %get3A_255 = vector.shape_cast %get3A_254 : vector<1x16xf32> to vector<16xf32>
        %add3A_256 = arith.addf %add3A_242, %get3A_255 : vector<16xf32>
        %add3A_257 = arith.constant 10 : i32
        %add3A_258 = arith.addi %mul3A_120, %add3A_257 : i32
        %get3A_259 = arith.index_cast %add3A_258 : i32 to index
        %get3A_260 = arith.constant 0 : index
        %get3A_261 = tpu.vector_load %arg7[%get3A_259, %get3A_260] {strides = array<i32>} : memref<416x32xf32, #tpu.memory_space<vmem>>, vector<1x16xf32>,
        %get3A_262 = vector.shape_cast %get3A_261 : vector<1x16xf32> to vector<16xf32>
        %add3A_263 = arith.addf %add3A_249, %get3A_262 : vector<16xf32>
        %add3A_264 = arith.constant 10 : i32
        %add3A_265 = arith.addi %mul3A_120, %add3A_264 : i32
        %get3A_266 = arith.index_cast %add3A_265 : i32 to index
        %get3A_267 = arith.constant 16 : index
        %get3A_268 = tpu.vector_load %arg7[%get3A_266, %get3A_267] {strides = array<i32>} : memref<416x32xf32, #tpu.memory_space<vmem>>, vector<1x16xf32>,
        %get3A_269 = vector.shape_cast %get3A_268 : vector<1x16xf32> to vector<16xf32>
        %add3A_270 = arith.addf %add3A_256, %get3A_269 : vector<16xf32>
        %add3A_271 = arith.constant 11 : i32
        %add3A_272 = arith.addi %mul3A_120, %add3A_271 : i32
        %get3A_273 = arith.index_cast %add3A_272 : i32 to index
        %get3A_274 = arith.constant 0 : index
        %get3A_275 = tpu.vector_load %arg7[%get3A_273, %get3A_274] {strides = array<i32>} : memref<416x32xf32, #tpu.memory_space<vmem>>, vector<1x16xf32>,
        %get3A_276 = vector.shape_cast %get3A_275 : vector<1x16xf32> to vector<16xf32>
        %add3A_277 = arith.addf %add3A_263, %get3A_276 : vector<16xf32>
        %add3A_278 = arith.constant 11 : i32
        %add3A_279 = arith.addi %mul3A_120, %add3A_278 : i32
        %get3A_280 = arith.index_cast %add3A_279 : i32 to index
        %get3A_281 = arith.constant 16 : index
        %get3A_282 = tpu.vector_load %arg7[%get3A_280, %get3A_281] {strides = array<i32>} : memref<416x32xf32, #tpu.memory_space<vmem>>, vector<1x16xf32>,
        %get3A_283 = vector.shape_cast %get3A_282 : vector<1x16xf32> to vector<16xf32>
        %add3A_284 = arith.addf %add3A_270, %get3A_283 : vector<16xf32>
        %add3A_285 = arith.constant 12 : i32
        %add3A_286 = arith.addi %mul3A_120, %add3A_285 : i32
        %get3A_287 = arith.index_cast %add3A_286 : i32 to index
        %get3A_288 = arith.constant 0 : index
        %get3A_289 = tpu.vector_load %arg7[%get3A_287, %get3A_288] {strides = array<i32>} : memref<416x32xf32, #tpu.memory_space<vmem>>, vector<1x16xf32>,
        %get3A_290 = vector.shape_cast %get3A_289 : vector<1x16xf32> to vector<16xf32>
        %add3A_291 = arith.addf %add3A_277, %get3A_290 : vector<16xf32>
        %add3A_292 = arith.constant 12 : i32
        %add3A_293 = arith.addi %mul3A_120, %add3A_292 : i32
        %get3A_294 = arith.index_cast %add3A_293 : i32 to index
        %get3A_295 = arith.constant 16 : index
        %get3A_296 = tpu.vector_load %arg7[%get3A_294, %get3A_295] {strides = array<i32>} : memref<416x32xf32, #tpu.memory_space<vmem>>, vector<1x16xf32>,
        %get3A_297 = vector.shape_cast %get3A_296 : vector<1x16xf32> to vector<16xf32>
        %add3A_298 = arith.addf %add3A_284, %get3A_297 : vector<16xf32>
        %add3A_299 = arith.constant 13 : i32
        %add3A_300 = arith.addi %mul3A_120, %add3A_299 : i32
        %get3A_301 = arith.index_cast %add3A_300 : i32 to index
        %get3A_302 = arith.constant 0 : index
        %get3A_303 = tpu.vector_load %arg7[%get3A_301, %get3A_302] {strides = array<i32>} : memref<416x32xf32, #tpu.memory_space<vmem>>, vector<1x16xf32>,
        %get3A_304 = vector.shape_cast %get3A_303 : vector<1x16xf32> to vector<16xf32>
        %add3A_305 = arith.addf %add3A_291, %get3A_304 : vector<16xf32>
        %add3A_306 = arith.constant 13 : i32
        %add3A_307 = arith.addi %mul3A_120, %add3A_306 : i32
        %get3A_308 = arith.index_cast %add3A_307 : i32 to index
        %get3A_309 = arith.constant 16 : index
        %get3A_310 = tpu.vector_load %arg7[%get3A_308, %get3A_309] {strides = array<i32>} : memref<416x32xf32, #tpu.memory_space<vmem>>, vector<1x16xf32>,
        %get3A_311 = vector.shape_cast %get3A_310 : vector<1x16xf32> to vector<16xf32>
        %add3A_312 = arith.addf %add3A_298, %get3A_311 : vector<16xf32>
        %add3A_313 = arith.constant 14 : i32
        %add3A_314 = arith.addi %mul3A_120, %add3A_313 : i32
        %get3A_315 = arith.index_cast %add3A_314 : i32 to index
        %get3A_316 = arith.constant 0 : index
        %get3A_317 = tpu.vector_load %arg7[%get3A_315, %get3A_316] {strides = array<i32>} : memref<416x32xf32, #tpu.memory_space<vmem>>, vector<1x16xf32>,
        %get3A_318 = vector.shape_cast %get3A_317 : vector<1x16xf32> to vector<16xf32>
        %add3A_319 = arith.addf %add3A_305, %get3A_318 : vector<16xf32>
        %add3A_320 = arith.constant 14 : i32
        %add3A_321 = arith.addi %mul3A_120, %add3A_320 : i32
        %get3A_322 = arith.index_cast %add3A_321 : i32 to index
        %get3A_323 = arith.constant 16 : index
        %get3A_324 = tpu.vector_load %arg7[%get3A_322, %get3A_323] {strides = array<i32>} : memref<416x32xf32, #tpu.memory_space<vmem>>, vector<1x16xf32>,
        %get3A_325 = vector.shape_cast %get3A_324 : vector<1x16xf32> to vector<16xf32>
        %add3A_326 = arith.addf %add3A_312, %get3A_325 : vector<16xf32>
        %add3A_327 = arith.constant 15 : i32
        %add3A_328 = arith.addi %mul3A_120, %add3A_327 : i32
        %get3A_329 = arith.index_cast %add3A_328 : i32 to index
        %get3A_330 = arith.constant 0 : index
        %get3A_331 = tpu.vector_load %arg7[%get3A_329, %get3A_330] {strides = array<i32>} : memref<416x32xf32, #tpu.memory_space<vmem>>, vector<1x16xf32>,
        %get3A_332 = vector.shape_cast %get3A_331 : vector<1x16xf32> to vector<16xf32>
        %add3A_333 = arith.addf %add3A_319, %get3A_332 : vector<16xf32>
        %add3A_334 = arith.constant 15 : i32
        %add3A_335 = arith.addi %mul3A_120, %add3A_334 : i32
        %get3A_336 = arith.index_cast %add3A_335 : i32 to index
        %get3A_337 = arith.constant 16 : index
        %get3A_338 = tpu.vector_load %arg7[%get3A_336, %get3A_337] {strides = array<i32>} : memref<416x32xf32, #tpu.memory_space<vmem>>, vector<1x16xf32>,
        %get3A_339 = vector.shape_cast %get3A_338 : vector<1x16xf32> to vector<16xf32>
        %add3A_340 = arith.addf %add3A_326, %get3A_339 : vector<16xf32>
        %add3A_341 = arith.constant 16 : i32
        %add3A_342 = arith.addi %mul3A_120, %add3A_341 : i32
        %get3A_343 = arith.index_cast %add3A_342 : i32 to index
        %get3A_344 = arith.constant 0 : index
        %get3A_345 = tpu.vector_load %arg7[%get3A_343, %get3A_344] {strides = array<i32>} : memref<416x32xf32, #tpu.memory_space<vmem>>, vector<1x16xf32>,
        %get3A_346 = vector.shape_cast %get3A_345 : vector<1x16xf32> to vector<16xf32>
        %add3A_347 = arith.addf %add3A_333, %get3A_346 : vector<16xf32>
        %add3A_348 = arith.constant 16 : i32
        %add3A_349 = arith.addi %mul3A_120, %add3A_348 : i32
        %get3A_350 = arith.index_cast %add3A_349 : i32 to index
        %get3A_351 = arith.constant 16 : index
        %get3A_352 = tpu.vector_load %arg7[%get3A_350, %get3A_351] {strides = array<i32>} : memref<416x32xf32, #tpu.memory_space<vmem>>, vector<1x16xf32>,
        %get3A_353 = vector.shape_cast %get3A_352 : vector<1x16xf32> to vector<16xf32>
        %add3A_354 = arith.addf %add3A_340, %get3A_353 : vector<16xf32>
        %add3A_355 = arith.constant 17 : i32
        %add3A_356 = arith.addi %mul3A_120, %add3A_355 : i32
        %get3A_357 = arith.index_cast %add3A_356 : i32 to index
        %get3A_358 = arith.constant 0 : index
        %get3A_359 = tpu.vector_load %arg7[%get3A_357, %get3A_358] {strides = array<i32>} : memref<416x32xf32, #tpu.memory_space<vmem>>, vector<1x16xf32>,
        %get3A_360 = vector.shape_cast %get3A_359 : vector<1x16xf32> to vector<16xf32>
        %add3A_361 = arith.addf %add3A_347, %get3A_360 : vector<16xf32>
        %add3A_362 = arith.constant 17 : i32
        %add3A_363 = arith.addi %mul3A_120, %add3A_362 : i32
        %get3A_364 = arith.index_cast %add3A_363 : i32 to index
        %get3A_365 = arith.constant 16 : index
        %get3A_366 = tpu.vector_load %arg7[%get3A_364, %get3A_365] {strides = array<i32>} : memref<416x32xf32, #tpu.memory_space<vmem>>, vector<1x16xf32>,
        %get3A_367 = vector.shape_cast %get3A_366 : vector<1x16xf32> to vector<16xf32>
        %add3A_368 = arith.addf %add3A_354, %get3A_367 : vector<16xf32>
        %add3A_369 = arith.constant 18 : i32
        %add3A_370 = arith.addi %mul3A_120, %add3A_369 : i32
        %get3A_371 = arith.index_cast %add3A_370 : i32 to index
        %get3A_372 = arith.constant 0 : index
        %get3A_373 = tpu.vector_load %arg7[%get3A_371, %get3A_372] {strides = array<i32>} : memref<416x32xf32, #tpu.memory_space<vmem>>, vector<1x16xf32>,
        %get3A_374 = vector.shape_cast %get3A_373 : vector<1x16xf32> to vector<16xf32>
        %add3A_375 = arith.addf %add3A_361, %get3A_374 : vector<16xf32>
        %add3A_376 = arith.constant 18 : i32
        %add3A_377 = arith.addi %mul3A_120, %add3A_376 : i32
        %get3A_378 = arith.index_cast %add3A_377 : i32 to index
        %get3A_379 = arith.constant 16 : index
        %get3A_380 = tpu.vector_load %arg7[%get3A_378, %get3A_379] {strides = array<i32>} : memref<416x32xf32, #tpu.memory_space<vmem>>, vector<1x16xf32>,
        %get3A_381 = vector.shape_cast %get3A_380 : vector<1x16xf32> to vector<16xf32>
        %add3A_382 = arith.addf %add3A_368, %get3A_381 : vector<16xf32>
        %add3A_383 = arith.constant 19 : i32
        %add3A_384 = arith.addi %mul3A_120, %add3A_383 : i32
        %get3A_385 = arith.index_cast %add3A_384 : i32 to index
        %get3A_386 = arith.constant 0 : index
        %get3A_387 = tpu.vector_load %arg7[%get3A_385, %get3A_386] {strides = array<i32>} : memref<416x32xf32, #tpu.memory_space<vmem>>, vector<1x16xf32>,
        %get3A_388 = vector.shape_cast %get3A_387 : vector<1x16xf32> to vector<16xf32>
        %add3A_389 = arith.addf %add3A_375, %get3A_388 : vector<16xf32>
        %add3A_390 = arith.constant 19 : i32
        %add3A_391 = arith.addi %mul3A_120, %add3A_390 : i32
        %get3A_392 = arith.index_cast %add3A_391 : i32 to index
        %get3A_393 = arith.constant 16 : index
        %get3A_394 = tpu.vector_load %arg7[%get3A_392, %get3A_393] {strides = array<i32>} : memref<416x32xf32, #tpu.memory_space<vmem>>, vector<1x16xf32>,
        %get3A_395 = vector.shape_cast %get3A_394 : vector<1x16xf32> to vector<16xf32>
        %add3A_396 = arith.addf %add3A_382, %get3A_395 : vector<16xf32>
        %add3A_397 = arith.constant 20 : i32
        %add3A_398 = arith.addi %mul3A_120, %add3A_397 : i32
        %get3A_399 = arith.index_cast %add3A_398 : i32 to index
        %get3A_400 = arith.constant 0 : index
        %get3A_401 = tpu.vector_load %arg7[%get3A_399, %get3A_400] {strides = array<i32>} : memref<416x32xf32, #tpu.memory_space<vmem>>, vector<1x16xf32>,
        %get3A_402 = vector.shape_cast %get3A_401 : vector<1x16xf32> to vector<16xf32>
        %add3A_403 = arith.addf %add3A_389, %get3A_402 : vector<16xf32>
        %add3A_404 = arith.constant 20 : i32
        %add3A_405 = arith.addi %mul3A_120, %add3A_404 : i32
        %get3A_406 = arith.index_cast %add3A_405 : i32 to index
        %get3A_407 = arith.constant 16 : index
        %get3A_408 = tpu.vector_load %arg7[%get3A_406, %get3A_407] {strides = array<i32>} : memref<416x32xf32, #tpu.memory_space<vmem>>, vector<1x16xf32>,
        %get3A_409 = vector.shape_cast %get3A_408 : vector<1x16xf32> to vector<16xf32>
        %add3A_410 = arith.addf %add3A_396, %get3A_409 : vector<16xf32>
        %add3A_411 = arith.constant 21 : i32
        %add3A_412 = arith.addi %mul3A_120, %add3A_411 : i32
        %get3A_413 = arith.index_cast %add3A_412 : i32 to index
        %get3A_414 = arith.constant 0 : index
        %get3A_415 = tpu.vector_load %arg7[%get3A_413, %get3A_414] {strides = array<i32>} : memref<416x32xf32, #tpu.memory_space<vmem>>, vector<1x16xf32>,
        %get3A_416 = vector.shape_cast %get3A_415 : vector<1x16xf32> to vector<16xf32>
        %add3A_417 = arith.addf %add3A_403, %get3A_416 : vector<16xf32>
        %add3A_418 = arith.constant 21 : i32
        %add3A_419 = arith.addi %mul3A_120, %add3A_418 : i32
        %get3A_420 = arith.index_cast %add3A_419 : i32 to index
        %get3A_421 = arith.constant 16 : index
        %get3A_422 = tpu.vector_load %arg7[%get3A_420, %get3A_421] {strides = array<i32>} : memref<416x32xf32, #tpu.memory_space<vmem>>, vector<1x16xf32>,
        %get3A_423 = vector.shape_cast %get3A_422 : vector<1x16xf32> to vector<16xf32>
        %add3A_424 = arith.addf %add3A_410, %get3A_423 : vector<16xf32>
        %add3A_425 = arith.constant 22 : i32
        %add3A_426 = arith.addi %mul3A_120, %add3A_425 : i32
        %get3A_427 = arith.index_cast %add3A_426 : i32 to index
        %get3A_428 = arith.constant 0 : index
        %get3A_429 = tpu.vector_load %arg7[%get3A_427, %get3A_428] {strides = array<i32>} : memref<416x32xf32, #tpu.memory_space<vmem>>, vector<1x16xf32>,
        %get3A_430 = vector.shape_cast %get3A_429 : vector<1x16xf32> to vector<16xf32>
        %add3A_431 = arith.addf %add3A_417, %get3A_430 : vector<16xf32>
        %add3A_432 = arith.constant 22 : i32
        %add3A_433 = arith.addi %mul3A_120, %add3A_432 : i32
        %get3A_434 = arith.index_cast %add3A_433 : i32 to index
        %get3A_435 = arith.constant 16 : index
        %get3A_436 = tpu.vector_load %arg7[%get3A_434, %get3A_435] {strides = array<i32>} : memref<416x32xf32, #tpu.memory_space<vmem>>, vector<1x16xf32>,
        %get3A_437 = vector.shape_cast %get3A_436 : vector<1x16xf32> to vector<16xf32>
        %add3A_438 = arith.addf %add3A_424, %get3A_437 : vector<16xf32>
        %add3A_439 = arith.constant 23 : i32
        %add3A_440 = arith.addi %mul3A_120, %add3A_439 : i32
        %get3A_441 = arith.index_cast %add3A_440 : i32 to index
        %get3A_442 = arith.constant 0 : index
        %get3A_443 = tpu.vector_load %arg7[%get3A_441, %get3A_442] {strides = array<i32>} : memref<416x32xf32, #tpu.memory_space<vmem>>, vector<1x16xf32>,
        %get3A_444 = vector.shape_cast %get3A_443 : vector<1x16xf32> to vector<16xf32>
        %add3A_445 = arith.addf %add3A_431, %get3A_444 : vector<16xf32>
        %add3A_446 = arith.constant 23 : i32
        %add3A_447 = arith.addi %mul3A_120, %add3A_446 : i32
        %get3A_448 = arith.index_cast %add3A_447 : i32 to index
        %get3A_449 = arith.constant 16 : index
        %get3A_450 = tpu.vector_load %arg7[%get3A_448, %get3A_449] {strides = array<i32>} : memref<416x32xf32, #tpu.memory_space<vmem>>, vector<1x16xf32>,
        %get3A_451 = vector.shape_cast %get3A_450 : vector<1x16xf32> to vector<16xf32>
        %add3A_452 = arith.addf %add3A_438, %get3A_451 : vector<16xf32>
        %add3A_453 = arith.constant 24 : i32
        %add3A_454 = arith.addi %mul3A_120, %add3A_453 : i32
        %get3A_455 = arith.index_cast %add3A_454 : i32 to index
        %get3A_456 = arith.constant 0 : index
        %get3A_457 = tpu.vector_load %arg7[%get3A_455, %get3A_456] {strides = array<i32>} : memref<416x32xf32, #tpu.memory_space<vmem>>, vector<1x16xf32>,
        %get3A_458 = vector.shape_cast %get3A_457 : vector<1x16xf32> to vector<16xf32>
        %add3A_459 = arith.addf %add3A_445, %get3A_458 : vector<16xf32>
        %add3A_460 = arith.constant 24 : i32
        %add3A_461 = arith.addi %mul3A_120, %add3A_460 : i32
        %get3A_462 = arith.index_cast %add3A_461 : i32 to index
        %get3A_463 = arith.constant 16 : index
        %get3A_464 = tpu.vector_load %arg7[%get3A_462, %get3A_463] {strides = array<i32>} : memref<416x32xf32, #tpu.memory_space<vmem>>, vector<1x16xf32>,
        %get3A_465 = vector.shape_cast %get3A_464 : vector<1x16xf32> to vector<16xf32>
        %add3A_466 = arith.addf %add3A_452, %get3A_465 : vector<16xf32>
        %add3A_467 = arith.constant 25 : i32
        %add3A_468 = arith.addi %mul3A_120, %add3A_467 : i32
        %get3A_469 = arith.index_cast %add3A_468 : i32 to index
        %get3A_470 = arith.constant 0 : index
        %get3A_471 = tpu.vector_load %arg7[%get3A_469, %get3A_470] {strides = array<i32>} : memref<416x32xf32, #tpu.memory_space<vmem>>, vector<1x16xf32>,
        %get3A_472 = vector.shape_cast %get3A_471 : vector<1x16xf32> to vector<16xf32>
        %add3A_473 = arith.addf %add3A_459, %get3A_472 : vector<16xf32>
        %add3A_474 = arith.constant 25 : i32
        %add3A_475 = arith.addi %mul3A_120, %add3A_474 : i32
        %get3A_476 = arith.index_cast %add3A_475 : i32 to index
        %get3A_477 = arith.constant 16 : index
        %get3A_478 = tpu.vector_load %arg7[%get3A_476, %get3A_477] {strides = array<i32>} : memref<416x32xf32, #tpu.memory_space<vmem>>, vector<1x16xf32>,
        %get3A_479 = vector.shape_cast %get3A_478 : vector<1x16xf32> to vector<16xf32>
        %add3A_480 = arith.addf %add3A_466, %get3A_479 : vector<16xf32>
        %swap3A = arith.index_cast %add3A_123 : i32 to index
        %swap3A_481 = arith.constant 0 : index
        %swap3A_482 = tpu.vector_load %arg10[%swap3A, %swap3A_481] {strides = array<i32>} : memref<512x32xf32, #tpu.memory_space<vmem>>, vector<1x16xf32>,
        %swap3A_483 = vector.shape_cast %swap3A_482 : vector<1x16xf32> to vector<16xf32>
        %swap3A_484 = vector.shape_cast %add3A_473 : vector<16xf32> to vector<1x16xf32>
        tpu.vector_store %arg10[%swap3A, %swap3A_481], %swap3A_484 {strides = array<i32>} : memref<512x32xf32, #tpu.memory_space<vmem>>, vector<1x16xf32>,
        %swap3A_485 = arith.index_cast %add3A_123 : i32 to index
        %swap3A_486 = arith.constant 16 : index
        %swap3A_487 = tpu.vector_load %arg10[%swap3A_485, %swap3A_486] {strides = array<i32>} : memref<512x32xf32, #tpu.memory_space<vmem>>, vector<1x16xf32>,
        %swap3A_488 = vector.shape_cast %swap3A_487 : vector<1x16xf32> to vector<16xf32>
        %swap3A_489 = vector.shape_cast %add3A_480 : vector<16xf32> to vector<1x16xf32>
        tpu.vector_store %arg10[%swap3A_485, %swap3A_486], %swap3A_489 {strides = array<i32>} : memref<512x32xf32, #tpu.memory_space<vmem>>, vector<1x16xf32>,
      }
      %scan3A_68 = arith.constant 16 : i32
      %add3A_69 = arith.constant 4 : i32
      %add3A_70 = arith.addi %add3A_56, %add3A_69 : i32
      %lt3A_71 = arith.constant 32 : i32
      %lt3A_72 = arith.cmpi slt, %add3A_70, %lt3A_71 : i32
      %convert_element_type3A_73 = arith.extui %lt3A_72 : i1 to i32
      %cond3A_74 = arith.constant 0 : i32
      %cond3A_75 = arith.cmpi ne, %convert_element_type3A_73, %cond3A_74 : i32
      scf.if %cond3A_75 {
        %add3A_118 = arith.constant 4 : i32
        %add3A_119 = arith.addi %add3A_56, %add3A_118 : i32
        %mul3A_120 = arith.constant 416 : i32
        %mul3A_121 = arith.muli %add3A_119, %mul3A_120 : i32
        %dma_start3A_122 = tpu.memref_slice %arg5[%mul3A_121] : memref<13312xi32, #tpu.memory_space<vmem>> -> memref<416xi32, #tpu.memory_space<vmem>>
        %dma_start3A_123 = arith.constant 0 : i32
        %dma_start3A_124 = arith.constant 0 : i32
        %dma_start3A_125 = tpu.memref_slice %arg3[%dma_start3A_123, %dma_start3A_124] : memref<2600000x32xf32, #tpu.memory_space<hbm>> -> memref<2600000x32xf32, #tpu.memory_space<hbm>>
        tpu.enqueue_indirect_dma source(%dma_start3A_125 : memref<2600000x32xf32, #tpu.memory_space<hbm>>) target(%arg7 : memref<416x32xf32, #tpu.memory_space<vmem>>) offsets(%dma_start3A_122 : memref<416xi32, #tpu.memory_space<vmem>>) semaphore(%arg12 : memref<!tpu.dma_semaphore, #tpu.memory_space<semaphore_mem>>)
      } else {
      }
      %add3A_76 = arith.constant 2 : i32
      %add3A_77 = arith.addi %mul3A_37, %add3A_76 : i32
      %mul3A_78 = arith.constant 416 : i32
      %mul3A_79 = arith.muli %add3A_77, %mul3A_78 : i32
      %dma_wait3A_80 = tpu.memref_slice %arg5[%mul3A_79] : memref<13312xi32, #tpu.memory_space<vmem>> -> memref<416xi32, #tpu.memory_space<vmem>>
      %dma_wait3A_81 = arith.constant 0 : i32
      %dma_wait3A_82 = arith.constant 0 : i32
      %dma_wait3A_83 = tpu.memref_slice %arg3[%dma_wait3A_81, %dma_wait3A_82] : memref<2600000x32xf32, #tpu.memory_space<hbm>> -> memref<2600000x32xf32, #tpu.memory_space<hbm>>
      tpu.wait_indirect_dma semaphore(%arg13 : memref<!tpu.dma_semaphore, #tpu.memory_space<semaphore_mem>>) src(%dma_wait3A_83 : memref<2600000x32xf32, #tpu.memory_space<hbm>>) dst(%arg8 : memref<416x32xf32, #tpu.memory_space<vmem>>)
      %scan3A_84 = arith.constant 0 : i32
      %scan3A_85 = arith.constant 0 : i32
      %scan3A_86 = arith.constant 16 : i32
      %scan3A_87 = arith.addi %scan3A_85, %scan3A_86 : i32
      %scan3A_88 = arith.constant 1 : i32
      scf.for %scan3A_118 = %scan3A_85 to %scan3A_87 step %scan3A_88  : i32 {
        %mul3A_119 = arith.constant 26 : i32
        %mul3A_120 = arith.muli %scan3A_118, %mul3A_119 : i32
        %mul3A_121 = arith.constant 16 : i32
        %mul3A_122 = arith.muli %add3A_77, %mul3A_121 : i32
        %add3A_123 = arith.addi %mul3A_122, %scan3A_118 : i32
        %get3A = arith.index_cast %mul3A_120 : i32 to index
        %get3A_124 = arith.constant 0 : index
        %get3A_125 = tpu.vector_load %arg8[%get3A, %get3A_124] {strides = array<i32>} : memref<416x32xf32, #tpu.memory_space<vmem>>, vector<1x16xf32>,
        %get3A_126 = vector.shape_cast %get3A_125 : vector<1x16xf32> to vector<16xf32>
        %get3A_127 = arith.index_cast %mul3A_120 : i32 to index
        %get3A_128 = arith.constant 16 : index
        %get3A_129 = tpu.vector_load %arg8[%get3A_127, %get3A_128] {strides = array<i32>} : memref<416x32xf32, #tpu.memory_space<vmem>>, vector<1x16xf32>,
        %get3A_130 = vector.shape_cast %get3A_129 : vector<1x16xf32> to vector<16xf32>
        %add3A_131 = arith.constant 1 : i32
        %add3A_132 = arith.addi %mul3A_120, %add3A_131 : i32
        %get3A_133 = arith.index_cast %add3A_132 : i32 to index
        %get3A_134 = arith.constant 0 : index
        %get3A_135 = tpu.vector_load %arg8[%get3A_133, %get3A_134] {strides = array<i32>} : memref<416x32xf32, #tpu.memory_space<vmem>>, vector<1x16xf32>,
        %get3A_136 = vector.shape_cast %get3A_135 : vector<1x16xf32> to vector<16xf32>
        %add3A_137 = arith.addf %get3A_126, %get3A_136 : vector<16xf32>
        %add3A_138 = arith.constant 1 : i32
        %add3A_139 = arith.addi %mul3A_120, %add3A_138 : i32
        %get3A_140 = arith.index_cast %add3A_139 : i32 to index
        %get3A_141 = arith.constant 16 : index
        %get3A_142 = tpu.vector_load %arg8[%get3A_140, %get3A_141] {strides = array<i32>} : memref<416x32xf32, #tpu.memory_space<vmem>>, vector<1x16xf32>,
        %get3A_143 = vector.shape_cast %get3A_142 : vector<1x16xf32> to vector<16xf32>
        %add3A_144 = arith.addf %get3A_130, %get3A_143 : vector<16xf32>
        %add3A_145 = arith.constant 2 : i32
        %add3A_146 = arith.addi %mul3A_120, %add3A_145 : i32
        %get3A_147 = arith.index_cast %add3A_146 : i32 to index
        %get3A_148 = arith.constant 0 : index
        %get3A_149 = tpu.vector_load %arg8[%get3A_147, %get3A_148] {strides = array<i32>} : memref<416x32xf32, #tpu.memory_space<vmem>>, vector<1x16xf32>,
        %get3A_150 = vector.shape_cast %get3A_149 : vector<1x16xf32> to vector<16xf32>
        %add3A_151 = arith.addf %add3A_137, %get3A_150 : vector<16xf32>
        %add3A_152 = arith.constant 2 : i32
        %add3A_153 = arith.addi %mul3A_120, %add3A_152 : i32
        %get3A_154 = arith.index_cast %add3A_153 : i32 to index
        %get3A_155 = arith.constant 16 : index
        %get3A_156 = tpu.vector_load %arg8[%get3A_154, %get3A_155] {strides = array<i32>} : memref<416x32xf32, #tpu.memory_space<vmem>>, vector<1x16xf32>,
        %get3A_157 = vector.shape_cast %get3A_156 : vector<1x16xf32> to vector<16xf32>
        %add3A_158 = arith.addf %add3A_144, %get3A_157 : vector<16xf32>
        %add3A_159 = arith.constant 3 : i32
        %add3A_160 = arith.addi %mul3A_120, %add3A_159 : i32
        %get3A_161 = arith.index_cast %add3A_160 : i32 to index
        %get3A_162 = arith.constant 0 : index
        %get3A_163 = tpu.vector_load %arg8[%get3A_161, %get3A_162] {strides = array<i32>} : memref<416x32xf32, #tpu.memory_space<vmem>>, vector<1x16xf32>,
        %get3A_164 = vector.shape_cast %get3A_163 : vector<1x16xf32> to vector<16xf32>
        %add3A_165 = arith.addf %add3A_151, %get3A_164 : vector<16xf32>
        %add3A_166 = arith.constant 3 : i32
        %add3A_167 = arith.addi %mul3A_120, %add3A_166 : i32
        %get3A_168 = arith.index_cast %add3A_167 : i32 to index
        %get3A_169 = arith.constant 16 : index
        %get3A_170 = tpu.vector_load %arg8[%get3A_168, %get3A_169] {strides = array<i32>} : memref<416x32xf32, #tpu.memory_space<vmem>>, vector<1x16xf32>,
        %get3A_171 = vector.shape_cast %get3A_170 : vector<1x16xf32> to vector<16xf32>
        %add3A_172 = arith.addf %add3A_158, %get3A_171 : vector<16xf32>
        %add3A_173 = arith.constant 4 : i32
        %add3A_174 = arith.addi %mul3A_120, %add3A_173 : i32
        %get3A_175 = arith.index_cast %add3A_174 : i32 to index
        %get3A_176 = arith.constant 0 : index
        %get3A_177 = tpu.vector_load %arg8[%get3A_175, %get3A_176] {strides = array<i32>} : memref<416x32xf32, #tpu.memory_space<vmem>>, vector<1x16xf32>,
        %get3A_178 = vector.shape_cast %get3A_177 : vector<1x16xf32> to vector<16xf32>
        %add3A_179 = arith.addf %add3A_165, %get3A_178 : vector<16xf32>
        %add3A_180 = arith.constant 4 : i32
        %add3A_181 = arith.addi %mul3A_120, %add3A_180 : i32
        %get3A_182 = arith.index_cast %add3A_181 : i32 to index
        %get3A_183 = arith.constant 16 : index
        %get3A_184 = tpu.vector_load %arg8[%get3A_182, %get3A_183] {strides = array<i32>} : memref<416x32xf32, #tpu.memory_space<vmem>>, vector<1x16xf32>,
        %get3A_185 = vector.shape_cast %get3A_184 : vector<1x16xf32> to vector<16xf32>
        %add3A_186 = arith.addf %add3A_172, %get3A_185 : vector<16xf32>
        %add3A_187 = arith.constant 5 : i32
        %add3A_188 = arith.addi %mul3A_120, %add3A_187 : i32
        %get3A_189 = arith.index_cast %add3A_188 : i32 to index
        %get3A_190 = arith.constant 0 : index
        %get3A_191 = tpu.vector_load %arg8[%get3A_189, %get3A_190] {strides = array<i32>} : memref<416x32xf32, #tpu.memory_space<vmem>>, vector<1x16xf32>,
        %get3A_192 = vector.shape_cast %get3A_191 : vector<1x16xf32> to vector<16xf32>
        %add3A_193 = arith.addf %add3A_179, %get3A_192 : vector<16xf32>
        %add3A_194 = arith.constant 5 : i32
        %add3A_195 = arith.addi %mul3A_120, %add3A_194 : i32
        %get3A_196 = arith.index_cast %add3A_195 : i32 to index
        %get3A_197 = arith.constant 16 : index
        %get3A_198 = tpu.vector_load %arg8[%get3A_196, %get3A_197] {strides = array<i32>} : memref<416x32xf32, #tpu.memory_space<vmem>>, vector<1x16xf32>,
        %get3A_199 = vector.shape_cast %get3A_198 : vector<1x16xf32> to vector<16xf32>
        %add3A_200 = arith.addf %add3A_186, %get3A_199 : vector<16xf32>
        %add3A_201 = arith.constant 6 : i32
        %add3A_202 = arith.addi %mul3A_120, %add3A_201 : i32
        %get3A_203 = arith.index_cast %add3A_202 : i32 to index
        %get3A_204 = arith.constant 0 : index
        %get3A_205 = tpu.vector_load %arg8[%get3A_203, %get3A_204] {strides = array<i32>} : memref<416x32xf32, #tpu.memory_space<vmem>>, vector<1x16xf32>,
        %get3A_206 = vector.shape_cast %get3A_205 : vector<1x16xf32> to vector<16xf32>
        %add3A_207 = arith.addf %add3A_193, %get3A_206 : vector<16xf32>
        %add3A_208 = arith.constant 6 : i32
        %add3A_209 = arith.addi %mul3A_120, %add3A_208 : i32
        %get3A_210 = arith.index_cast %add3A_209 : i32 to index
        %get3A_211 = arith.constant 16 : index
        %get3A_212 = tpu.vector_load %arg8[%get3A_210, %get3A_211] {strides = array<i32>} : memref<416x32xf32, #tpu.memory_space<vmem>>, vector<1x16xf32>,
        %get3A_213 = vector.shape_cast %get3A_212 : vector<1x16xf32> to vector<16xf32>
        %add3A_214 = arith.addf %add3A_200, %get3A_213 : vector<16xf32>
        %add3A_215 = arith.constant 7 : i32
        %add3A_216 = arith.addi %mul3A_120, %add3A_215 : i32
        %get3A_217 = arith.index_cast %add3A_216 : i32 to index
        %get3A_218 = arith.constant 0 : index
        %get3A_219 = tpu.vector_load %arg8[%get3A_217, %get3A_218] {strides = array<i32>} : memref<416x32xf32, #tpu.memory_space<vmem>>, vector<1x16xf32>,
        %get3A_220 = vector.shape_cast %get3A_219 : vector<1x16xf32> to vector<16xf32>
        %add3A_221 = arith.addf %add3A_207, %get3A_220 : vector<16xf32>
        %add3A_222 = arith.constant 7 : i32
        %add3A_223 = arith.addi %mul3A_120, %add3A_222 : i32
        %get3A_224 = arith.index_cast %add3A_223 : i32 to index
        %get3A_225 = arith.constant 16 : index
        %get3A_226 = tpu.vector_load %arg8[%get3A_224, %get3A_225] {strides = array<i32>} : memref<416x32xf32, #tpu.memory_space<vmem>>, vector<1x16xf32>,
        %get3A_227 = vector.shape_cast %get3A_226 : vector<1x16xf32> to vector<16xf32>
        %add3A_228 = arith.addf %add3A_214, %get3A_227 : vector<16xf32>
        %add3A_229 = arith.constant 8 : i32
        %add3A_230 = arith.addi %mul3A_120, %add3A_229 : i32
        %get3A_231 = arith.index_cast %add3A_230 : i32 to index
        %get3A_232 = arith.constant 0 : index
        %get3A_233 = tpu.vector_load %arg8[%get3A_231, %get3A_232] {strides = array<i32>} : memref<416x32xf32, #tpu.memory_space<vmem>>, vector<1x16xf32>,
        %get3A_234 = vector.shape_cast %get3A_233 : vector<1x16xf32> to vector<16xf32>
        %add3A_235 = arith.addf %add3A_221, %get3A_234 : vector<16xf32>
        %add3A_236 = arith.constant 8 : i32
        %add3A_237 = arith.addi %mul3A_120, %add3A_236 : i32
        %get3A_238 = arith.index_cast %add3A_237 : i32 to index
        %get3A_239 = arith.constant 16 : index
        %get3A_240 = tpu.vector_load %arg8[%get3A_238, %get3A_239] {strides = array<i32>} : memref<416x32xf32, #tpu.memory_space<vmem>>, vector<1x16xf32>,
        %get3A_241 = vector.shape_cast %get3A_240 : vector<1x16xf32> to vector<16xf32>
        %add3A_242 = arith.addf %add3A_228, %get3A_241 : vector<16xf32>
        %add3A_243 = arith.constant 9 : i32
        %add3A_244 = arith.addi %mul3A_120, %add3A_243 : i32
        %get3A_245 = arith.index_cast %add3A_244 : i32 to index
        %get3A_246 = arith.constant 0 : index
        %get3A_247 = tpu.vector_load %arg8[%get3A_245, %get3A_246] {strides = array<i32>} : memref<416x32xf32, #tpu.memory_space<vmem>>, vector<1x16xf32>,
        %get3A_248 = vector.shape_cast %get3A_247 : vector<1x16xf32> to vector<16xf32>
        %add3A_249 = arith.addf %add3A_235, %get3A_248 : vector<16xf32>
        %add3A_250 = arith.constant 9 : i32
        %add3A_251 = arith.addi %mul3A_120, %add3A_250 : i32
        %get3A_252 = arith.index_cast %add3A_251 : i32 to index
        %get3A_253 = arith.constant 16 : index
        %get3A_254 = tpu.vector_load %arg8[%get3A_252, %get3A_253] {strides = array<i32>} : memref<416x32xf32, #tpu.memory_space<vmem>>, vector<1x16xf32>,
        %get3A_255 = vector.shape_cast %get3A_254 : vector<1x16xf32> to vector<16xf32>
        %add3A_256 = arith.addf %add3A_242, %get3A_255 : vector<16xf32>
        %add3A_257 = arith.constant 10 : i32
        %add3A_258 = arith.addi %mul3A_120, %add3A_257 : i32
        %get3A_259 = arith.index_cast %add3A_258 : i32 to index
        %get3A_260 = arith.constant 0 : index
        %get3A_261 = tpu.vector_load %arg8[%get3A_259, %get3A_260] {strides = array<i32>} : memref<416x32xf32, #tpu.memory_space<vmem>>, vector<1x16xf32>,
        %get3A_262 = vector.shape_cast %get3A_261 : vector<1x16xf32> to vector<16xf32>
        %add3A_263 = arith.addf %add3A_249, %get3A_262 : vector<16xf32>
        %add3A_264 = arith.constant 10 : i32
        %add3A_265 = arith.addi %mul3A_120, %add3A_264 : i32
        %get3A_266 = arith.index_cast %add3A_265 : i32 to index
        %get3A_267 = arith.constant 16 : index
        %get3A_268 = tpu.vector_load %arg8[%get3A_266, %get3A_267] {strides = array<i32>} : memref<416x32xf32, #tpu.memory_space<vmem>>, vector<1x16xf32>,
        %get3A_269 = vector.shape_cast %get3A_268 : vector<1x16xf32> to vector<16xf32>
        %add3A_270 = arith.addf %add3A_256, %get3A_269 : vector<16xf32>
        %add3A_271 = arith.constant 11 : i32
        %add3A_272 = arith.addi %mul3A_120, %add3A_271 : i32
        %get3A_273 = arith.index_cast %add3A_272 : i32 to index
        %get3A_274 = arith.constant 0 : index
        %get3A_275 = tpu.vector_load %arg8[%get3A_273, %get3A_274] {strides = array<i32>} : memref<416x32xf32, #tpu.memory_space<vmem>>, vector<1x16xf32>,
        %get3A_276 = vector.shape_cast %get3A_275 : vector<1x16xf32> to vector<16xf32>
        %add3A_277 = arith.addf %add3A_263, %get3A_276 : vector<16xf32>
        %add3A_278 = arith.constant 11 : i32
        %add3A_279 = arith.addi %mul3A_120, %add3A_278 : i32
        %get3A_280 = arith.index_cast %add3A_279 : i32 to index
        %get3A_281 = arith.constant 16 : index
        %get3A_282 = tpu.vector_load %arg8[%get3A_280, %get3A_281] {strides = array<i32>} : memref<416x32xf32, #tpu.memory_space<vmem>>, vector<1x16xf32>,
        %get3A_283 = vector.shape_cast %get3A_282 : vector<1x16xf32> to vector<16xf32>
        %add3A_284 = arith.addf %add3A_270, %get3A_283 : vector<16xf32>
        %add3A_285 = arith.constant 12 : i32
        %add3A_286 = arith.addi %mul3A_120, %add3A_285 : i32
        %get3A_287 = arith.index_cast %add3A_286 : i32 to index
        %get3A_288 = arith.constant 0 : index
        %get3A_289 = tpu.vector_load %arg8[%get3A_287, %get3A_288] {strides = array<i32>} : memref<416x32xf32, #tpu.memory_space<vmem>>, vector<1x16xf32>,
        %get3A_290 = vector.shape_cast %get3A_289 : vector<1x16xf32> to vector<16xf32>
        %add3A_291 = arith.addf %add3A_277, %get3A_290 : vector<16xf32>
        %add3A_292 = arith.constant 12 : i32
        %add3A_293 = arith.addi %mul3A_120, %add3A_292 : i32
        %get3A_294 = arith.index_cast %add3A_293 : i32 to index
        %get3A_295 = arith.constant 16 : index
        %get3A_296 = tpu.vector_load %arg8[%get3A_294, %get3A_295] {strides = array<i32>} : memref<416x32xf32, #tpu.memory_space<vmem>>, vector<1x16xf32>,
        %get3A_297 = vector.shape_cast %get3A_296 : vector<1x16xf32> to vector<16xf32>
        %add3A_298 = arith.addf %add3A_284, %get3A_297 : vector<16xf32>
        %add3A_299 = arith.constant 13 : i32
        %add3A_300 = arith.addi %mul3A_120, %add3A_299 : i32
        %get3A_301 = arith.index_cast %add3A_300 : i32 to index
        %get3A_302 = arith.constant 0 : index
        %get3A_303 = tpu.vector_load %arg8[%get3A_301, %get3A_302] {strides = array<i32>} : memref<416x32xf32, #tpu.memory_space<vmem>>, vector<1x16xf32>,
        %get3A_304 = vector.shape_cast %get3A_303 : vector<1x16xf32> to vector<16xf32>
        %add3A_305 = arith.addf %add3A_291, %get3A_304 : vector<16xf32>
        %add3A_306 = arith.constant 13 : i32
        %add3A_307 = arith.addi %mul3A_120, %add3A_306 : i32
        %get3A_308 = arith.index_cast %add3A_307 : i32 to index
        %get3A_309 = arith.constant 16 : index
        %get3A_310 = tpu.vector_load %arg8[%get3A_308, %get3A_309] {strides = array<i32>} : memref<416x32xf32, #tpu.memory_space<vmem>>, vector<1x16xf32>,
        %get3A_311 = vector.shape_cast %get3A_310 : vector<1x16xf32> to vector<16xf32>
        %add3A_312 = arith.addf %add3A_298, %get3A_311 : vector<16xf32>
        %add3A_313 = arith.constant 14 : i32
        %add3A_314 = arith.addi %mul3A_120, %add3A_313 : i32
        %get3A_315 = arith.index_cast %add3A_314 : i32 to index
        %get3A_316 = arith.constant 0 : index
        %get3A_317 = tpu.vector_load %arg8[%get3A_315, %get3A_316] {strides = array<i32>} : memref<416x32xf32, #tpu.memory_space<vmem>>, vector<1x16xf32>,
        %get3A_318 = vector.shape_cast %get3A_317 : vector<1x16xf32> to vector<16xf32>
        %add3A_319 = arith.addf %add3A_305, %get3A_318 : vector<16xf32>
        %add3A_320 = arith.constant 14 : i32
        %add3A_321 = arith.addi %mul3A_120, %add3A_320 : i32
        %get3A_322 = arith.index_cast %add3A_321 : i32 to index
        %get3A_323 = arith.constant 16 : index
        %get3A_324 = tpu.vector_load %arg8[%get3A_322, %get3A_323] {strides = array<i32>} : memref<416x32xf32, #tpu.memory_space<vmem>>, vector<1x16xf32>,
        %get3A_325 = vector.shape_cast %get3A_324 : vector<1x16xf32> to vector<16xf32>
        %add3A_326 = arith.addf %add3A_312, %get3A_325 : vector<16xf32>
        %add3A_327 = arith.constant 15 : i32
        %add3A_328 = arith.addi %mul3A_120, %add3A_327 : i32
        %get3A_329 = arith.index_cast %add3A_328 : i32 to index
        %get3A_330 = arith.constant 0 : index
        %get3A_331 = tpu.vector_load %arg8[%get3A_329, %get3A_330] {strides = array<i32>} : memref<416x32xf32, #tpu.memory_space<vmem>>, vector<1x16xf32>,
        %get3A_332 = vector.shape_cast %get3A_331 : vector<1x16xf32> to vector<16xf32>
        %add3A_333 = arith.addf %add3A_319, %get3A_332 : vector<16xf32>
        %add3A_334 = arith.constant 15 : i32
        %add3A_335 = arith.addi %mul3A_120, %add3A_334 : i32
        %get3A_336 = arith.index_cast %add3A_335 : i32 to index
        %get3A_337 = arith.constant 16 : index
        %get3A_338 = tpu.vector_load %arg8[%get3A_336, %get3A_337] {strides = array<i32>} : memref<416x32xf32, #tpu.memory_space<vmem>>, vector<1x16xf32>,
        %get3A_339 = vector.shape_cast %get3A_338 : vector<1x16xf32> to vector<16xf32>
        %add3A_340 = arith.addf %add3A_326, %get3A_339 : vector<16xf32>
        %add3A_341 = arith.constant 16 : i32
        %add3A_342 = arith.addi %mul3A_120, %add3A_341 : i32
        %get3A_343 = arith.index_cast %add3A_342 : i32 to index
        %get3A_344 = arith.constant 0 : index
        %get3A_345 = tpu.vector_load %arg8[%get3A_343, %get3A_344] {strides = array<i32>} : memref<416x32xf32, #tpu.memory_space<vmem>>, vector<1x16xf32>,
        %get3A_346 = vector.shape_cast %get3A_345 : vector<1x16xf32> to vector<16xf32>
        %add3A_347 = arith.addf %add3A_333, %get3A_346 : vector<16xf32>
        %add3A_348 = arith.constant 16 : i32
        %add3A_349 = arith.addi %mul3A_120, %add3A_348 : i32
        %get3A_350 = arith.index_cast %add3A_349 : i32 to index
        %get3A_351 = arith.constant 16 : index
        %get3A_352 = tpu.vector_load %arg8[%get3A_350, %get3A_351] {strides = array<i32>} : memref<416x32xf32, #tpu.memory_space<vmem>>, vector<1x16xf32>,
        %get3A_353 = vector.shape_cast %get3A_352 : vector<1x16xf32> to vector<16xf32>
        %add3A_354 = arith.addf %add3A_340, %get3A_353 : vector<16xf32>
        %add3A_355 = arith.constant 17 : i32
        %add3A_356 = arith.addi %mul3A_120, %add3A_355 : i32
        %get3A_357 = arith.index_cast %add3A_356 : i32 to index
        %get3A_358 = arith.constant 0 : index
        %get3A_359 = tpu.vector_load %arg8[%get3A_357, %get3A_358] {strides = array<i32>} : memref<416x32xf32, #tpu.memory_space<vmem>>, vector<1x16xf32>,
        %get3A_360 = vector.shape_cast %get3A_359 : vector<1x16xf32> to vector<16xf32>
        %add3A_361 = arith.addf %add3A_347, %get3A_360 : vector<16xf32>
        %add3A_362 = arith.constant 17 : i32
        %add3A_363 = arith.addi %mul3A_120, %add3A_362 : i32
        %get3A_364 = arith.index_cast %add3A_363 : i32 to index
        %get3A_365 = arith.constant 16 : index
        %get3A_366 = tpu.vector_load %arg8[%get3A_364, %get3A_365] {strides = array<i32>} : memref<416x32xf32, #tpu.memory_space<vmem>>, vector<1x16xf32>,
        %get3A_367 = vector.shape_cast %get3A_366 : vector<1x16xf32> to vector<16xf32>
        %add3A_368 = arith.addf %add3A_354, %get3A_367 : vector<16xf32>
        %add3A_369 = arith.constant 18 : i32
        %add3A_370 = arith.addi %mul3A_120, %add3A_369 : i32
        %get3A_371 = arith.index_cast %add3A_370 : i32 to index
        %get3A_372 = arith.constant 0 : index
        %get3A_373 = tpu.vector_load %arg8[%get3A_371, %get3A_372] {strides = array<i32>} : memref<416x32xf32, #tpu.memory_space<vmem>>, vector<1x16xf32>,
        %get3A_374 = vector.shape_cast %get3A_373 : vector<1x16xf32> to vector<16xf32>
        %add3A_375 = arith.addf %add3A_361, %get3A_374 : vector<16xf32>
        %add3A_376 = arith.constant 18 : i32
        %add3A_377 = arith.addi %mul3A_120, %add3A_376 : i32
        %get3A_378 = arith.index_cast %add3A_377 : i32 to index
        %get3A_379 = arith.constant 16 : index
        %get3A_380 = tpu.vector_load %arg8[%get3A_378, %get3A_379] {strides = array<i32>} : memref<416x32xf32, #tpu.memory_space<vmem>>, vector<1x16xf32>,
        %get3A_381 = vector.shape_cast %get3A_380 : vector<1x16xf32> to vector<16xf32>
        %add3A_382 = arith.addf %add3A_368, %get3A_381 : vector<16xf32>
        %add3A_383 = arith.constant 19 : i32
        %add3A_384 = arith.addi %mul3A_120, %add3A_383 : i32
        %get3A_385 = arith.index_cast %add3A_384 : i32 to index
        %get3A_386 = arith.constant 0 : index
        %get3A_387 = tpu.vector_load %arg8[%get3A_385, %get3A_386] {strides = array<i32>} : memref<416x32xf32, #tpu.memory_space<vmem>>, vector<1x16xf32>,
        %get3A_388 = vector.shape_cast %get3A_387 : vector<1x16xf32> to vector<16xf32>
        %add3A_389 = arith.addf %add3A_375, %get3A_388 : vector<16xf32>
        %add3A_390 = arith.constant 19 : i32
        %add3A_391 = arith.addi %mul3A_120, %add3A_390 : i32
        %get3A_392 = arith.index_cast %add3A_391 : i32 to index
        %get3A_393 = arith.constant 16 : index
        %get3A_394 = tpu.vector_load %arg8[%get3A_392, %get3A_393] {strides = array<i32>} : memref<416x32xf32, #tpu.memory_space<vmem>>, vector<1x16xf32>,
        %get3A_395 = vector.shape_cast %get3A_394 : vector<1x16xf32> to vector<16xf32>
        %add3A_396 = arith.addf %add3A_382, %get3A_395 : vector<16xf32>
        %add3A_397 = arith.constant 20 : i32
        %add3A_398 = arith.addi %mul3A_120, %add3A_397 : i32
        %get3A_399 = arith.index_cast %add3A_398 : i32 to index
        %get3A_400 = arith.constant 0 : index
        %get3A_401 = tpu.vector_load %arg8[%get3A_399, %get3A_400] {strides = array<i32>} : memref<416x32xf32, #tpu.memory_space<vmem>>, vector<1x16xf32>,
        %get3A_402 = vector.shape_cast %get3A_401 : vector<1x16xf32> to vector<16xf32>
        %add3A_403 = arith.addf %add3A_389, %get3A_402 : vector<16xf32>
        %add3A_404 = arith.constant 20 : i32
        %add3A_405 = arith.addi %mul3A_120, %add3A_404 : i32
        %get3A_406 = arith.index_cast %add3A_405 : i32 to index
        %get3A_407 = arith.constant 16 : index
        %get3A_408 = tpu.vector_load %arg8[%get3A_406, %get3A_407] {strides = array<i32>} : memref<416x32xf32, #tpu.memory_space<vmem>>, vector<1x16xf32>,
        %get3A_409 = vector.shape_cast %get3A_408 : vector<1x16xf32> to vector<16xf32>
        %add3A_410 = arith.addf %add3A_396, %get3A_409 : vector<16xf32>
        %add3A_411 = arith.constant 21 : i32
        %add3A_412 = arith.addi %mul3A_120, %add3A_411 : i32
        %get3A_413 = arith.index_cast %add3A_412 : i32 to index
        %get3A_414 = arith.constant 0 : index
        %get3A_415 = tpu.vector_load %arg8[%get3A_413, %get3A_414] {strides = array<i32>} : memref<416x32xf32, #tpu.memory_space<vmem>>, vector<1x16xf32>,
        %get3A_416 = vector.shape_cast %get3A_415 : vector<1x16xf32> to vector<16xf32>
        %add3A_417 = arith.addf %add3A_403, %get3A_416 : vector<16xf32>
        %add3A_418 = arith.constant 21 : i32
        %add3A_419 = arith.addi %mul3A_120, %add3A_418 : i32
        %get3A_420 = arith.index_cast %add3A_419 : i32 to index
        %get3A_421 = arith.constant 16 : index
        %get3A_422 = tpu.vector_load %arg8[%get3A_420, %get3A_421] {strides = array<i32>} : memref<416x32xf32, #tpu.memory_space<vmem>>, vector<1x16xf32>,
        %get3A_423 = vector.shape_cast %get3A_422 : vector<1x16xf32> to vector<16xf32>
        %add3A_424 = arith.addf %add3A_410, %get3A_423 : vector<16xf32>
        %add3A_425 = arith.constant 22 : i32
        %add3A_426 = arith.addi %mul3A_120, %add3A_425 : i32
        %get3A_427 = arith.index_cast %add3A_426 : i32 to index
        %get3A_428 = arith.constant 0 : index
        %get3A_429 = tpu.vector_load %arg8[%get3A_427, %get3A_428] {strides = array<i32>} : memref<416x32xf32, #tpu.memory_space<vmem>>, vector<1x16xf32>,
        %get3A_430 = vector.shape_cast %get3A_429 : vector<1x16xf32> to vector<16xf32>
        %add3A_431 = arith.addf %add3A_417, %get3A_430 : vector<16xf32>
        %add3A_432 = arith.constant 22 : i32
        %add3A_433 = arith.addi %mul3A_120, %add3A_432 : i32
        %get3A_434 = arith.index_cast %add3A_433 : i32 to index
        %get3A_435 = arith.constant 16 : index
        %get3A_436 = tpu.vector_load %arg8[%get3A_434, %get3A_435] {strides = array<i32>} : memref<416x32xf32, #tpu.memory_space<vmem>>, vector<1x16xf32>,
        %get3A_437 = vector.shape_cast %get3A_436 : vector<1x16xf32> to vector<16xf32>
        %add3A_438 = arith.addf %add3A_424, %get3A_437 : vector<16xf32>
        %add3A_439 = arith.constant 23 : i32
        %add3A_440 = arith.addi %mul3A_120, %add3A_439 : i32
        %get3A_441 = arith.index_cast %add3A_440 : i32 to index
        %get3A_442 = arith.constant 0 : index
        %get3A_443 = tpu.vector_load %arg8[%get3A_441, %get3A_442] {strides = array<i32>} : memref<416x32xf32, #tpu.memory_space<vmem>>, vector<1x16xf32>,
        %get3A_444 = vector.shape_cast %get3A_443 : vector<1x16xf32> to vector<16xf32>
        %add3A_445 = arith.addf %add3A_431, %get3A_444 : vector<16xf32>
        %add3A_446 = arith.constant 23 : i32
        %add3A_447 = arith.addi %mul3A_120, %add3A_446 : i32
        %get3A_448 = arith.index_cast %add3A_447 : i32 to index
        %get3A_449 = arith.constant 16 : index
        %get3A_450 = tpu.vector_load %arg8[%get3A_448, %get3A_449] {strides = array<i32>} : memref<416x32xf32, #tpu.memory_space<vmem>>, vector<1x16xf32>,
        %get3A_451 = vector.shape_cast %get3A_450 : vector<1x16xf32> to vector<16xf32>
        %add3A_452 = arith.addf %add3A_438, %get3A_451 : vector<16xf32>
        %add3A_453 = arith.constant 24 : i32
        %add3A_454 = arith.addi %mul3A_120, %add3A_453 : i32
        %get3A_455 = arith.index_cast %add3A_454 : i32 to index
        %get3A_456 = arith.constant 0 : index
        %get3A_457 = tpu.vector_load %arg8[%get3A_455, %get3A_456] {strides = array<i32>} : memref<416x32xf32, #tpu.memory_space<vmem>>, vector<1x16xf32>,
        %get3A_458 = vector.shape_cast %get3A_457 : vector<1x16xf32> to vector<16xf32>
        %add3A_459 = arith.addf %add3A_445, %get3A_458 : vector<16xf32>
        %add3A_460 = arith.constant 24 : i32
        %add3A_461 = arith.addi %mul3A_120, %add3A_460 : i32
        %get3A_462 = arith.index_cast %add3A_461 : i32 to index
        %get3A_463 = arith.constant 16 : index
        %get3A_464 = tpu.vector_load %arg8[%get3A_462, %get3A_463] {strides = array<i32>} : memref<416x32xf32, #tpu.memory_space<vmem>>, vector<1x16xf32>,
        %get3A_465 = vector.shape_cast %get3A_464 : vector<1x16xf32> to vector<16xf32>
        %add3A_466 = arith.addf %add3A_452, %get3A_465 : vector<16xf32>
        %add3A_467 = arith.constant 25 : i32
        %add3A_468 = arith.addi %mul3A_120, %add3A_467 : i32
        %get3A_469 = arith.index_cast %add3A_468 : i32 to index
        %get3A_470 = arith.constant 0 : index
        %get3A_471 = tpu.vector_load %arg8[%get3A_469, %get3A_470] {strides = array<i32>} : memref<416x32xf32, #tpu.memory_space<vmem>>, vector<1x16xf32>,
        %get3A_472 = vector.shape_cast %get3A_471 : vector<1x16xf32> to vector<16xf32>
        %add3A_473 = arith.addf %add3A_459, %get3A_472 : vector<16xf32>
        %add3A_474 = arith.constant 25 : i32
        %add3A_475 = arith.addi %mul3A_120, %add3A_474 : i32
        %get3A_476 = arith.index_cast %add3A_475 : i32 to index
        %get3A_477 = arith.constant 16 : index
        %get3A_478 = tpu.vector_load %arg8[%get3A_476, %get3A_477] {strides = array<i32>} : memref<416x32xf32, #tpu.memory_space<vmem>>, vector<1x16xf32>,
        %get3A_479 = vector.shape_cast %get3A_478 : vector<1x16xf32> to vector<16xf32>
        %add3A_480 = arith.addf %add3A_466, %get3A_479 : vector<16xf32>
        %swap3A = arith.index_cast %add3A_123 : i32 to index
        %swap3A_481 = arith.constant 0 : index
        %swap3A_482 = tpu.vector_load %arg10[%swap3A, %swap3A_481] {strides = array<i32>} : memref<512x32xf32, #tpu.memory_space<vmem>>, vector<1x16xf32>,
        %swap3A_483 = vector.shape_cast %swap3A_482 : vector<1x16xf32> to vector<16xf32>
        %swap3A_484 = vector.shape_cast %add3A_473 : vector<16xf32> to vector<1x16xf32>
        tpu.vector_store %arg10[%swap3A, %swap3A_481], %swap3A_484 {strides = array<i32>} : memref<512x32xf32, #tpu.memory_space<vmem>>, vector<1x16xf32>,
        %swap3A_485 = arith.index_cast %add3A_123 : i32 to index
        %swap3A_486 = arith.constant 16 : index
        %swap3A_487 = tpu.vector_load %arg10[%swap3A_485, %swap3A_486] {strides = array<i32>} : memref<512x32xf32, #tpu.memory_space<vmem>>, vector<1x16xf32>,
        %swap3A_488 = vector.shape_cast %swap3A_487 : vector<1x16xf32> to vector<16xf32>
        %swap3A_489 = vector.shape_cast %add3A_480 : vector<16xf32> to vector<1x16xf32>
        tpu.vector_store %arg10[%swap3A_485, %swap3A_486], %swap3A_489 {strides = array<i32>} : memref<512x32xf32, #tpu.memory_space<vmem>>, vector<1x16xf32>,
      }
      %scan3A_89 = arith.constant 16 : i32
      %add3A_90 = arith.constant 4 : i32
      %add3A_91 = arith.addi %add3A_77, %add3A_90 : i32
      %lt3A_92 = arith.constant 32 : i32
      %lt3A_93 = arith.cmpi slt, %add3A_91, %lt3A_92 : i32
      %convert_element_type3A_94 = arith.extui %lt3A_93 : i1 to i32
      %cond3A_95 = arith.constant 0 : i32
      %cond3A_96 = arith.cmpi ne, %convert_element_type3A_94, %cond3A_95 : i32
      scf.if %cond3A_96 {
        %add3A_118 = arith.constant 4 : i32
        %add3A_119 = arith.addi %add3A_77, %add3A_118 : i32
        %mul3A_120 = arith.constant 416 : i32
        %mul3A_121 = arith.muli %add3A_119, %mul3A_120 : i32
        %dma_start3A_122 = tpu.memref_slice %arg5[%mul3A_121] : memref<13312xi32, #tpu.memory_space<vmem>> -> memref<416xi32, #tpu.memory_space<vmem>>
        %dma_start3A_123 = arith.constant 0 : i32
        %dma_start3A_124 = arith.constant 0 : i32
        %dma_start3A_125 = tpu.memref_slice %arg3[%dma_start3A_123, %dma_start3A_124] : memref<2600000x32xf32, #tpu.memory_space<hbm>> -> memref<2600000x32xf32, #tpu.memory_space<hbm>>
        tpu.enqueue_indirect_dma source(%dma_start3A_125 : memref<2600000x32xf32, #tpu.memory_space<hbm>>) target(%arg8 : memref<416x32xf32, #tpu.memory_space<vmem>>) offsets(%dma_start3A_122 : memref<416xi32, #tpu.memory_space<vmem>>) semaphore(%arg13 : memref<!tpu.dma_semaphore, #tpu.memory_space<semaphore_mem>>)
      } else {
      }
      %add3A_97 = arith.constant 3 : i32
      %add3A_98 = arith.addi %mul3A_37, %add3A_97 : i32
      %mul3A_99 = arith.constant 416 : i32
      %mul3A_100 = arith.muli %add3A_98, %mul3A_99 : i32
      %dma_wait3A_101 = tpu.memref_slice %arg5[%mul3A_100] : memref<13312xi32, #tpu.memory_space<vmem>> -> memref<416xi32, #tpu.memory_space<vmem>>
      %dma_wait3A_102 = arith.constant 0 : i32
      %dma_wait3A_103 = arith.constant 0 : i32
      %dma_wait3A_104 = tpu.memref_slice %arg3[%dma_wait3A_102, %dma_wait3A_103] : memref<2600000x32xf32, #tpu.memory_space<hbm>> -> memref<2600000x32xf32, #tpu.memory_space<hbm>>
      tpu.wait_indirect_dma semaphore(%arg14 : memref<!tpu.dma_semaphore, #tpu.memory_space<semaphore_mem>>) src(%dma_wait3A_104 : memref<2600000x32xf32, #tpu.memory_space<hbm>>) dst(%arg9 : memref<416x32xf32, #tpu.memory_space<vmem>>)
      %scan3A_105 = arith.constant 0 : i32
      %scan3A_106 = arith.constant 0 : i32
      %scan3A_107 = arith.constant 16 : i32
      %scan3A_108 = arith.addi %scan3A_106, %scan3A_107 : i32
      %scan3A_109 = arith.constant 1 : i32
      scf.for %scan3A_118 = %scan3A_106 to %scan3A_108 step %scan3A_109  : i32 {
        %mul3A_119 = arith.constant 26 : i32
        %mul3A_120 = arith.muli %scan3A_118, %mul3A_119 : i32
        %mul3A_121 = arith.constant 16 : i32
        %mul3A_122 = arith.muli %add3A_98, %mul3A_121 : i32
        %add3A_123 = arith.addi %mul3A_122, %scan3A_118 : i32
        %get3A = arith.index_cast %mul3A_120 : i32 to index
        %get3A_124 = arith.constant 0 : index
        %get3A_125 = tpu.vector_load %arg9[%get3A, %get3A_124] {strides = array<i32>} : memref<416x32xf32, #tpu.memory_space<vmem>>, vector<1x16xf32>,
        %get3A_126 = vector.shape_cast %get3A_125 : vector<1x16xf32> to vector<16xf32>
        %get3A_127 = arith.index_cast %mul3A_120 : i32 to index
        %get3A_128 = arith.constant 16 : index
        %get3A_129 = tpu.vector_load %arg9[%get3A_127, %get3A_128] {strides = array<i32>} : memref<416x32xf32, #tpu.memory_space<vmem>>, vector<1x16xf32>,
        %get3A_130 = vector.shape_cast %get3A_129 : vector<1x16xf32> to vector<16xf32>
        %add3A_131 = arith.constant 1 : i32
        %add3A_132 = arith.addi %mul3A_120, %add3A_131 : i32
        %get3A_133 = arith.index_cast %add3A_132 : i32 to index
        %get3A_134 = arith.constant 0 : index
        %get3A_135 = tpu.vector_load %arg9[%get3A_133, %get3A_134] {strides = array<i32>} : memref<416x32xf32, #tpu.memory_space<vmem>>, vector<1x16xf32>,
        %get3A_136 = vector.shape_cast %get3A_135 : vector<1x16xf32> to vector<16xf32>
        %add3A_137 = arith.addf %get3A_126, %get3A_136 : vector<16xf32>
        %add3A_138 = arith.constant 1 : i32
        %add3A_139 = arith.addi %mul3A_120, %add3A_138 : i32
        %get3A_140 = arith.index_cast %add3A_139 : i32 to index
        %get3A_141 = arith.constant 16 : index
        %get3A_142 = tpu.vector_load %arg9[%get3A_140, %get3A_141] {strides = array<i32>} : memref<416x32xf32, #tpu.memory_space<vmem>>, vector<1x16xf32>,
        %get3A_143 = vector.shape_cast %get3A_142 : vector<1x16xf32> to vector<16xf32>
        %add3A_144 = arith.addf %get3A_130, %get3A_143 : vector<16xf32>
        %add3A_145 = arith.constant 2 : i32
        %add3A_146 = arith.addi %mul3A_120, %add3A_145 : i32
        %get3A_147 = arith.index_cast %add3A_146 : i32 to index
        %get3A_148 = arith.constant 0 : index
        %get3A_149 = tpu.vector_load %arg9[%get3A_147, %get3A_148] {strides = array<i32>} : memref<416x32xf32, #tpu.memory_space<vmem>>, vector<1x16xf32>,
        %get3A_150 = vector.shape_cast %get3A_149 : vector<1x16xf32> to vector<16xf32>
        %add3A_151 = arith.addf %add3A_137, %get3A_150 : vector<16xf32>
        %add3A_152 = arith.constant 2 : i32
        %add3A_153 = arith.addi %mul3A_120, %add3A_152 : i32
        %get3A_154 = arith.index_cast %add3A_153 : i32 to index
        %get3A_155 = arith.constant 16 : index
        %get3A_156 = tpu.vector_load %arg9[%get3A_154, %get3A_155] {strides = array<i32>} : memref<416x32xf32, #tpu.memory_space<vmem>>, vector<1x16xf32>,
        %get3A_157 = vector.shape_cast %get3A_156 : vector<1x16xf32> to vector<16xf32>
        %add3A_158 = arith.addf %add3A_144, %get3A_157 : vector<16xf32>
        %add3A_159 = arith.constant 3 : i32
        %add3A_160 = arith.addi %mul3A_120, %add3A_159 : i32
        %get3A_161 = arith.index_cast %add3A_160 : i32 to index
        %get3A_162 = arith.constant 0 : index
        %get3A_163 = tpu.vector_load %arg9[%get3A_161, %get3A_162] {strides = array<i32>} : memref<416x32xf32, #tpu.memory_space<vmem>>, vector<1x16xf32>,
        %get3A_164 = vector.shape_cast %get3A_163 : vector<1x16xf32> to vector<16xf32>
        %add3A_165 = arith.addf %add3A_151, %get3A_164 : vector<16xf32>
        %add3A_166 = arith.constant 3 : i32
        %add3A_167 = arith.addi %mul3A_120, %add3A_166 : i32
        %get3A_168 = arith.index_cast %add3A_167 : i32 to index
        %get3A_169 = arith.constant 16 : index
        %get3A_170 = tpu.vector_load %arg9[%get3A_168, %get3A_169] {strides = array<i32>} : memref<416x32xf32, #tpu.memory_space<vmem>>, vector<1x16xf32>,
        %get3A_171 = vector.shape_cast %get3A_170 : vector<1x16xf32> to vector<16xf32>
        %add3A_172 = arith.addf %add3A_158, %get3A_171 : vector<16xf32>
        %add3A_173 = arith.constant 4 : i32
        %add3A_174 = arith.addi %mul3A_120, %add3A_173 : i32
        %get3A_175 = arith.index_cast %add3A_174 : i32 to index
        %get3A_176 = arith.constant 0 : index
        %get3A_177 = tpu.vector_load %arg9[%get3A_175, %get3A_176] {strides = array<i32>} : memref<416x32xf32, #tpu.memory_space<vmem>>, vector<1x16xf32>,
        %get3A_178 = vector.shape_cast %get3A_177 : vector<1x16xf32> to vector<16xf32>
        %add3A_179 = arith.addf %add3A_165, %get3A_178 : vector<16xf32>
        %add3A_180 = arith.constant 4 : i32
        %add3A_181 = arith.addi %mul3A_120, %add3A_180 : i32
        %get3A_182 = arith.index_cast %add3A_181 : i32 to index
        %get3A_183 = arith.constant 16 : index
        %get3A_184 = tpu.vector_load %arg9[%get3A_182, %get3A_183] {strides = array<i32>} : memref<416x32xf32, #tpu.memory_space<vmem>>, vector<1x16xf32>,
        %get3A_185 = vector.shape_cast %get3A_184 : vector<1x16xf32> to vector<16xf32>
        %add3A_186 = arith.addf %add3A_172, %get3A_185 : vector<16xf32>
        %add3A_187 = arith.constant 5 : i32
        %add3A_188 = arith.addi %mul3A_120, %add3A_187 : i32
        %get3A_189 = arith.index_cast %add3A_188 : i32 to index
        %get3A_190 = arith.constant 0 : index
        %get3A_191 = tpu.vector_load %arg9[%get3A_189, %get3A_190] {strides = array<i32>} : memref<416x32xf32, #tpu.memory_space<vmem>>, vector<1x16xf32>,
        %get3A_192 = vector.shape_cast %get3A_191 : vector<1x16xf32> to vector<16xf32>
        %add3A_193 = arith.addf %add3A_179, %get3A_192 : vector<16xf32>
        %add3A_194 = arith.constant 5 : i32
        %add3A_195 = arith.addi %mul3A_120, %add3A_194 : i32
        %get3A_196 = arith.index_cast %add3A_195 : i32 to index
        %get3A_197 = arith.constant 16 : index
        %get3A_198 = tpu.vector_load %arg9[%get3A_196, %get3A_197] {strides = array<i32>} : memref<416x32xf32, #tpu.memory_space<vmem>>, vector<1x16xf32>,
        %get3A_199 = vector.shape_cast %get3A_198 : vector<1x16xf32> to vector<16xf32>
        %add3A_200 = arith.addf %add3A_186, %get3A_199 : vector<16xf32>
        %add3A_201 = arith.constant 6 : i32
        %add3A_202 = arith.addi %mul3A_120, %add3A_201 : i32
        %get3A_203 = arith.index_cast %add3A_202 : i32 to index
        %get3A_204 = arith.constant 0 : index
        %get3A_205 = tpu.vector_load %arg9[%get3A_203, %get3A_204] {strides = array<i32>} : memref<416x32xf32, #tpu.memory_space<vmem>>, vector<1x16xf32>,
        %get3A_206 = vector.shape_cast %get3A_205 : vector<1x16xf32> to vector<16xf32>
        %add3A_207 = arith.addf %add3A_193, %get3A_206 : vector<16xf32>
        %add3A_208 = arith.constant 6 : i32
        %add3A_209 = arith.addi %mul3A_120, %add3A_208 : i32
        %get3A_210 = arith.index_cast %add3A_209 : i32 to index
        %get3A_211 = arith.constant 16 : index
        %get3A_212 = tpu.vector_load %arg9[%get3A_210, %get3A_211] {strides = array<i32>} : memref<416x32xf32, #tpu.memory_space<vmem>>, vector<1x16xf32>,
        %get3A_213 = vector.shape_cast %get3A_212 : vector<1x16xf32> to vector<16xf32>
        %add3A_214 = arith.addf %add3A_200, %get3A_213 : vector<16xf32>
        %add3A_215 = arith.constant 7 : i32
        %add3A_216 = arith.addi %mul3A_120, %add3A_215 : i32
        %get3A_217 = arith.index_cast %add3A_216 : i32 to index
        %get3A_218 = arith.constant 0 : index
        %get3A_219 = tpu.vector_load %arg9[%get3A_217, %get3A_218] {strides = array<i32>} : memref<416x32xf32, #tpu.memory_space<vmem>>, vector<1x16xf32>,
        %get3A_220 = vector.shape_cast %get3A_219 : vector<1x16xf32> to vector<16xf32>
        %add3A_221 = arith.addf %add3A_207, %get3A_220 : vector<16xf32>
        %add3A_222 = arith.constant 7 : i32
        %add3A_223 = arith.addi %mul3A_120, %add3A_222 : i32
        %get3A_224 = arith.index_cast %add3A_223 : i32 to index
        %get3A_225 = arith.constant 16 : index
        %get3A_226 = tpu.vector_load %arg9[%get3A_224, %get3A_225] {strides = array<i32>} : memref<416x32xf32, #tpu.memory_space<vmem>>, vector<1x16xf32>,
        %get3A_227 = vector.shape_cast %get3A_226 : vector<1x16xf32> to vector<16xf32>
        %add3A_228 = arith.addf %add3A_214, %get3A_227 : vector<16xf32>
        %add3A_229 = arith.constant 8 : i32
        %add3A_230 = arith.addi %mul3A_120, %add3A_229 : i32
        %get3A_231 = arith.index_cast %add3A_230 : i32 to index
        %get3A_232 = arith.constant 0 : index
        %get3A_233 = tpu.vector_load %arg9[%get3A_231, %get3A_232] {strides = array<i32>} : memref<416x32xf32, #tpu.memory_space<vmem>>, vector<1x16xf32>,
        %get3A_234 = vector.shape_cast %get3A_233 : vector<1x16xf32> to vector<16xf32>
        %add3A_235 = arith.addf %add3A_221, %get3A_234 : vector<16xf32>
        %add3A_236 = arith.constant 8 : i32
        %add3A_237 = arith.addi %mul3A_120, %add3A_236 : i32
        %get3A_238 = arith.index_cast %add3A_237 : i32 to index
        %get3A_239 = arith.constant 16 : index
        %get3A_240 = tpu.vector_load %arg9[%get3A_238, %get3A_239] {strides = array<i32>} : memref<416x32xf32, #tpu.memory_space<vmem>>, vector<1x16xf32>,
        %get3A_241 = vector.shape_cast %get3A_240 : vector<1x16xf32> to vector<16xf32>
        %add3A_242 = arith.addf %add3A_228, %get3A_241 : vector<16xf32>
        %add3A_243 = arith.constant 9 : i32
        %add3A_244 = arith.addi %mul3A_120, %add3A_243 : i32
        %get3A_245 = arith.index_cast %add3A_244 : i32 to index
        %get3A_246 = arith.constant 0 : index
        %get3A_247 = tpu.vector_load %arg9[%get3A_245, %get3A_246] {strides = array<i32>} : memref<416x32xf32, #tpu.memory_space<vmem>>, vector<1x16xf32>,
        %get3A_248 = vector.shape_cast %get3A_247 : vector<1x16xf32> to vector<16xf32>
        %add3A_249 = arith.addf %add3A_235, %get3A_248 : vector<16xf32>
        %add3A_250 = arith.constant 9 : i32
        %add3A_251 = arith.addi %mul3A_120, %add3A_250 : i32
        %get3A_252 = arith.index_cast %add3A_251 : i32 to index
        %get3A_253 = arith.constant 16 : index
        %get3A_254 = tpu.vector_load %arg9[%get3A_252, %get3A_253] {strides = array<i32>} : memref<416x32xf32, #tpu.memory_space<vmem>>, vector<1x16xf32>,
        %get3A_255 = vector.shape_cast %get3A_254 : vector<1x16xf32> to vector<16xf32>
        %add3A_256 = arith.addf %add3A_242, %get3A_255 : vector<16xf32>
        %add3A_257 = arith.constant 10 : i32
        %add3A_258 = arith.addi %mul3A_120, %add3A_257 : i32
        %get3A_259 = arith.index_cast %add3A_258 : i32 to index
        %get3A_260 = arith.constant 0 : index
        %get3A_261 = tpu.vector_load %arg9[%get3A_259, %get3A_260] {strides = array<i32>} : memref<416x32xf32, #tpu.memory_space<vmem>>, vector<1x16xf32>,
        %get3A_262 = vector.shape_cast %get3A_261 : vector<1x16xf32> to vector<16xf32>
        %add3A_263 = arith.addf %add3A_249, %get3A_262 : vector<16xf32>
        %add3A_264 = arith.constant 10 : i32
        %add3A_265 = arith.addi %mul3A_120, %add3A_264 : i32
        %get3A_266 = arith.index_cast %add3A_265 : i32 to index
        %get3A_267 = arith.constant 16 : index
        %get3A_268 = tpu.vector_load %arg9[%get3A_266, %get3A_267] {strides = array<i32>} : memref<416x32xf32, #tpu.memory_space<vmem>>, vector<1x16xf32>,
        %get3A_269 = vector.shape_cast %get3A_268 : vector<1x16xf32> to vector<16xf32>
        %add3A_270 = arith.addf %add3A_256, %get3A_269 : vector<16xf32>
        %add3A_271 = arith.constant 11 : i32
        %add3A_272 = arith.addi %mul3A_120, %add3A_271 : i32
        %get3A_273 = arith.index_cast %add3A_272 : i32 to index
        %get3A_274 = arith.constant 0 : index
        %get3A_275 = tpu.vector_load %arg9[%get3A_273, %get3A_274] {strides = array<i32>} : memref<416x32xf32, #tpu.memory_space<vmem>>, vector<1x16xf32>,
        %get3A_276 = vector.shape_cast %get3A_275 : vector<1x16xf32> to vector<16xf32>
        %add3A_277 = arith.addf %add3A_263, %get3A_276 : vector<16xf32>
        %add3A_278 = arith.constant 11 : i32
        %add3A_279 = arith.addi %mul3A_120, %add3A_278 : i32
        %get3A_280 = arith.index_cast %add3A_279 : i32 to index
        %get3A_281 = arith.constant 16 : index
        %get3A_282 = tpu.vector_load %arg9[%get3A_280, %get3A_281] {strides = array<i32>} : memref<416x32xf32, #tpu.memory_space<vmem>>, vector<1x16xf32>,
        %get3A_283 = vector.shape_cast %get3A_282 : vector<1x16xf32> to vector<16xf32>
        %add3A_284 = arith.addf %add3A_270, %get3A_283 : vector<16xf32>
        %add3A_285 = arith.constant 12 : i32
        %add3A_286 = arith.addi %mul3A_120, %add3A_285 : i32
        %get3A_287 = arith.index_cast %add3A_286 : i32 to index
        %get3A_288 = arith.constant 0 : index
        %get3A_289 = tpu.vector_load %arg9[%get3A_287, %get3A_288] {strides = array<i32>} : memref<416x32xf32, #tpu.memory_space<vmem>>, vector<1x16xf32>,
        %get3A_290 = vector.shape_cast %get3A_289 : vector<1x16xf32> to vector<16xf32>
        %add3A_291 = arith.addf %add3A_277, %get3A_290 : vector<16xf32>
        %add3A_292 = arith.constant 12 : i32
        %add3A_293 = arith.addi %mul3A_120, %add3A_292 : i32
        %get3A_294 = arith.index_cast %add3A_293 : i32 to index
        %get3A_295 = arith.constant 16 : index
        %get3A_296 = tpu.vector_load %arg9[%get3A_294, %get3A_295] {strides = array<i32>} : memref<416x32xf32, #tpu.memory_space<vmem>>, vector<1x16xf32>,
        %get3A_297 = vector.shape_cast %get3A_296 : vector<1x16xf32> to vector<16xf32>
        %add3A_298 = arith.addf %add3A_284, %get3A_297 : vector<16xf32>
        %add3A_299 = arith.constant 13 : i32
        %add3A_300 = arith.addi %mul3A_120, %add3A_299 : i32
        %get3A_301 = arith.index_cast %add3A_300 : i32 to index
        %get3A_302 = arith.constant 0 : index
        %get3A_303 = tpu.vector_load %arg9[%get3A_301, %get3A_302] {strides = array<i32>} : memref<416x32xf32, #tpu.memory_space<vmem>>, vector<1x16xf32>,
        %get3A_304 = vector.shape_cast %get3A_303 : vector<1x16xf32> to vector<16xf32>
        %add3A_305 = arith.addf %add3A_291, %get3A_304 : vector<16xf32>
        %add3A_306 = arith.constant 13 : i32
        %add3A_307 = arith.addi %mul3A_120, %add3A_306 : i32
        %get3A_308 = arith.index_cast %add3A_307 : i32 to index
        %get3A_309 = arith.constant 16 : index
        %get3A_310 = tpu.vector_load %arg9[%get3A_308, %get3A_309] {strides = array<i32>} : memref<416x32xf32, #tpu.memory_space<vmem>>, vector<1x16xf32>,
        %get3A_311 = vector.shape_cast %get3A_310 : vector<1x16xf32> to vector<16xf32>
        %add3A_312 = arith.addf %add3A_298, %get3A_311 : vector<16xf32>
        %add3A_313 = arith.constant 14 : i32
        %add3A_314 = arith.addi %mul3A_120, %add3A_313 : i32
        %get3A_315 = arith.index_cast %add3A_314 : i32 to index
        %get3A_316 = arith.constant 0 : index
        %get3A_317 = tpu.vector_load %arg9[%get3A_315, %get3A_316] {strides = array<i32>} : memref<416x32xf32, #tpu.memory_space<vmem>>, vector<1x16xf32>,
        %get3A_318 = vector.shape_cast %get3A_317 : vector<1x16xf32> to vector<16xf32>
        %add3A_319 = arith.addf %add3A_305, %get3A_318 : vector<16xf32>
        %add3A_320 = arith.constant 14 : i32
        %add3A_321 = arith.addi %mul3A_120, %add3A_320 : i32
        %get3A_322 = arith.index_cast %add3A_321 : i32 to index
        %get3A_323 = arith.constant 16 : index
        %get3A_324 = tpu.vector_load %arg9[%get3A_322, %get3A_323] {strides = array<i32>} : memref<416x32xf32, #tpu.memory_space<vmem>>, vector<1x16xf32>,
        %get3A_325 = vector.shape_cast %get3A_324 : vector<1x16xf32> to vector<16xf32>
        %add3A_326 = arith.addf %add3A_312, %get3A_325 : vector<16xf32>
        %add3A_327 = arith.constant 15 : i32
        %add3A_328 = arith.addi %mul3A_120, %add3A_327 : i32
        %get3A_329 = arith.index_cast %add3A_328 : i32 to index
        %get3A_330 = arith.constant 0 : index
        %get3A_331 = tpu.vector_load %arg9[%get3A_329, %get3A_330] {strides = array<i32>} : memref<416x32xf32, #tpu.memory_space<vmem>>, vector<1x16xf32>,
        %get3A_332 = vector.shape_cast %get3A_331 : vector<1x16xf32> to vector<16xf32>
        %add3A_333 = arith.addf %add3A_319, %get3A_332 : vector<16xf32>
        %add3A_334 = arith.constant 15 : i32
        %add3A_335 = arith.addi %mul3A_120, %add3A_334 : i32
        %get3A_336 = arith.index_cast %add3A_335 : i32 to index
        %get3A_337 = arith.constant 16 : index
        %get3A_338 = tpu.vector_load %arg9[%get3A_336, %get3A_337] {strides = array<i32>} : memref<416x32xf32, #tpu.memory_space<vmem>>, vector<1x16xf32>,
        %get3A_339 = vector.shape_cast %get3A_338 : vector<1x16xf32> to vector<16xf32>
        %add3A_340 = arith.addf %add3A_326, %get3A_339 : vector<16xf32>
        %add3A_341 = arith.constant 16 : i32
        %add3A_342 = arith.addi %mul3A_120, %add3A_341 : i32
        %get3A_343 = arith.index_cast %add3A_342 : i32 to index
        %get3A_344 = arith.constant 0 : index
        %get3A_345 = tpu.vector_load %arg9[%get3A_343, %get3A_344] {strides = array<i32>} : memref<416x32xf32, #tpu.memory_space<vmem>>, vector<1x16xf32>,
        %get3A_346 = vector.shape_cast %get3A_345 : vector<1x16xf32> to vector<16xf32>
        %add3A_347 = arith.addf %add3A_333, %get3A_346 : vector<16xf32>
        %add3A_348 = arith.constant 16 : i32
        %add3A_349 = arith.addi %mul3A_120, %add3A_348 : i32
        %get3A_350 = arith.index_cast %add3A_349 : i32 to index
        %get3A_351 = arith.constant 16 : index
        %get3A_352 = tpu.vector_load %arg9[%get3A_350, %get3A_351] {strides = array<i32>} : memref<416x32xf32, #tpu.memory_space<vmem>>, vector<1x16xf32>,
        %get3A_353 = vector.shape_cast %get3A_352 : vector<1x16xf32> to vector<16xf32>
        %add3A_354 = arith.addf %add3A_340, %get3A_353 : vector<16xf32>
        %add3A_355 = arith.constant 17 : i32
        %add3A_356 = arith.addi %mul3A_120, %add3A_355 : i32
        %get3A_357 = arith.index_cast %add3A_356 : i32 to index
        %get3A_358 = arith.constant 0 : index
        %get3A_359 = tpu.vector_load %arg9[%get3A_357, %get3A_358] {strides = array<i32>} : memref<416x32xf32, #tpu.memory_space<vmem>>, vector<1x16xf32>,
        %get3A_360 = vector.shape_cast %get3A_359 : vector<1x16xf32> to vector<16xf32>
        %add3A_361 = arith.addf %add3A_347, %get3A_360 : vector<16xf32>
        %add3A_362 = arith.constant 17 : i32
        %add3A_363 = arith.addi %mul3A_120, %add3A_362 : i32
        %get3A_364 = arith.index_cast %add3A_363 : i32 to index
        %get3A_365 = arith.constant 16 : index
        %get3A_366 = tpu.vector_load %arg9[%get3A_364, %get3A_365] {strides = array<i32>} : memref<416x32xf32, #tpu.memory_space<vmem>>, vector<1x16xf32>,
        %get3A_367 = vector.shape_cast %get3A_366 : vector<1x16xf32> to vector<16xf32>
        %add3A_368 = arith.addf %add3A_354, %get3A_367 : vector<16xf32>
        %add3A_369 = arith.constant 18 : i32
        %add3A_370 = arith.addi %mul3A_120, %add3A_369 : i32
        %get3A_371 = arith.index_cast %add3A_370 : i32 to index
        %get3A_372 = arith.constant 0 : index
        %get3A_373 = tpu.vector_load %arg9[%get3A_371, %get3A_372] {strides = array<i32>} : memref<416x32xf32, #tpu.memory_space<vmem>>, vector<1x16xf32>,
        %get3A_374 = vector.shape_cast %get3A_373 : vector<1x16xf32> to vector<16xf32>
        %add3A_375 = arith.addf %add3A_361, %get3A_374 : vector<16xf32>
        %add3A_376 = arith.constant 18 : i32
        %add3A_377 = arith.addi %mul3A_120, %add3A_376 : i32
        %get3A_378 = arith.index_cast %add3A_377 : i32 to index
        %get3A_379 = arith.constant 16 : index
        %get3A_380 = tpu.vector_load %arg9[%get3A_378, %get3A_379] {strides = array<i32>} : memref<416x32xf32, #tpu.memory_space<vmem>>, vector<1x16xf32>,
        %get3A_381 = vector.shape_cast %get3A_380 : vector<1x16xf32> to vector<16xf32>
        %add3A_382 = arith.addf %add3A_368, %get3A_381 : vector<16xf32>
        %add3A_383 = arith.constant 19 : i32
        %add3A_384 = arith.addi %mul3A_120, %add3A_383 : i32
        %get3A_385 = arith.index_cast %add3A_384 : i32 to index
        %get3A_386 = arith.constant 0 : index
        %get3A_387 = tpu.vector_load %arg9[%get3A_385, %get3A_386] {strides = array<i32>} : memref<416x32xf32, #tpu.memory_space<vmem>>, vector<1x16xf32>,
        %get3A_388 = vector.shape_cast %get3A_387 : vector<1x16xf32> to vector<16xf32>
        %add3A_389 = arith.addf %add3A_375, %get3A_388 : vector<16xf32>
        %add3A_390 = arith.constant 19 : i32
        %add3A_391 = arith.addi %mul3A_120, %add3A_390 : i32
        %get3A_392 = arith.index_cast %add3A_391 : i32 to index
        %get3A_393 = arith.constant 16 : index
        %get3A_394 = tpu.vector_load %arg9[%get3A_392, %get3A_393] {strides = array<i32>} : memref<416x32xf32, #tpu.memory_space<vmem>>, vector<1x16xf32>,
        %get3A_395 = vector.shape_cast %get3A_394 : vector<1x16xf32> to vector<16xf32>
        %add3A_396 = arith.addf %add3A_382, %get3A_395 : vector<16xf32>
        %add3A_397 = arith.constant 20 : i32
        %add3A_398 = arith.addi %mul3A_120, %add3A_397 : i32
        %get3A_399 = arith.index_cast %add3A_398 : i32 to index
        %get3A_400 = arith.constant 0 : index
        %get3A_401 = tpu.vector_load %arg9[%get3A_399, %get3A_400] {strides = array<i32>} : memref<416x32xf32, #tpu.memory_space<vmem>>, vector<1x16xf32>,
        %get3A_402 = vector.shape_cast %get3A_401 : vector<1x16xf32> to vector<16xf32>
        %add3A_403 = arith.addf %add3A_389, %get3A_402 : vector<16xf32>
        %add3A_404 = arith.constant 20 : i32
        %add3A_405 = arith.addi %mul3A_120, %add3A_404 : i32
        %get3A_406 = arith.index_cast %add3A_405 : i32 to index
        %get3A_407 = arith.constant 16 : index
        %get3A_408 = tpu.vector_load %arg9[%get3A_406, %get3A_407] {strides = array<i32>} : memref<416x32xf32, #tpu.memory_space<vmem>>, vector<1x16xf32>,
        %get3A_409 = vector.shape_cast %get3A_408 : vector<1x16xf32> to vector<16xf32>
        %add3A_410 = arith.addf %add3A_396, %get3A_409 : vector<16xf32>
        %add3A_411 = arith.constant 21 : i32
        %add3A_412 = arith.addi %mul3A_120, %add3A_411 : i32
        %get3A_413 = arith.index_cast %add3A_412 : i32 to index
        %get3A_414 = arith.constant 0 : index
        %get3A_415 = tpu.vector_load %arg9[%get3A_413, %get3A_414] {strides = array<i32>} : memref<416x32xf32, #tpu.memory_space<vmem>>, vector<1x16xf32>,
        %get3A_416 = vector.shape_cast %get3A_415 : vector<1x16xf32> to vector<16xf32>
        %add3A_417 = arith.addf %add3A_403, %get3A_416 : vector<16xf32>
        %add3A_418 = arith.constant 21 : i32
        %add3A_419 = arith.addi %mul3A_120, %add3A_418 : i32
        %get3A_420 = arith.index_cast %add3A_419 : i32 to index
        %get3A_421 = arith.constant 16 : index
        %get3A_422 = tpu.vector_load %arg9[%get3A_420, %get3A_421] {strides = array<i32>} : memref<416x32xf32, #tpu.memory_space<vmem>>, vector<1x16xf32>,
        %get3A_423 = vector.shape_cast %get3A_422 : vector<1x16xf32> to vector<16xf32>
        %add3A_424 = arith.addf %add3A_410, %get3A_423 : vector<16xf32>
        %add3A_425 = arith.constant 22 : i32
        %add3A_426 = arith.addi %mul3A_120, %add3A_425 : i32
        %get3A_427 = arith.index_cast %add3A_426 : i32 to index
        %get3A_428 = arith.constant 0 : index
        %get3A_429 = tpu.vector_load %arg9[%get3A_427, %get3A_428] {strides = array<i32>} : memref<416x32xf32, #tpu.memory_space<vmem>>, vector<1x16xf32>,
        %get3A_430 = vector.shape_cast %get3A_429 : vector<1x16xf32> to vector<16xf32>
        %add3A_431 = arith.addf %add3A_417, %get3A_430 : vector<16xf32>
        %add3A_432 = arith.constant 22 : i32
        %add3A_433 = arith.addi %mul3A_120, %add3A_432 : i32
        %get3A_434 = arith.index_cast %add3A_433 : i32 to index
        %get3A_435 = arith.constant 16 : index
        %get3A_436 = tpu.vector_load %arg9[%get3A_434, %get3A_435] {strides = array<i32>} : memref<416x32xf32, #tpu.memory_space<vmem>>, vector<1x16xf32>,
        %get3A_437 = vector.shape_cast %get3A_436 : vector<1x16xf32> to vector<16xf32>
        %add3A_438 = arith.addf %add3A_424, %get3A_437 : vector<16xf32>
        %add3A_439 = arith.constant 23 : i32
        %add3A_440 = arith.addi %mul3A_120, %add3A_439 : i32
        %get3A_441 = arith.index_cast %add3A_440 : i32 to index
        %get3A_442 = arith.constant 0 : index
        %get3A_443 = tpu.vector_load %arg9[%get3A_441, %get3A_442] {strides = array<i32>} : memref<416x32xf32, #tpu.memory_space<vmem>>, vector<1x16xf32>,
        %get3A_444 = vector.shape_cast %get3A_443 : vector<1x16xf32> to vector<16xf32>
        %add3A_445 = arith.addf %add3A_431, %get3A_444 : vector<16xf32>
        %add3A_446 = arith.constant 23 : i32
        %add3A_447 = arith.addi %mul3A_120, %add3A_446 : i32
        %get3A_448 = arith.index_cast %add3A_447 : i32 to index
        %get3A_449 = arith.constant 16 : index
        %get3A_450 = tpu.vector_load %arg9[%get3A_448, %get3A_449] {strides = array<i32>} : memref<416x32xf32, #tpu.memory_space<vmem>>, vector<1x16xf32>,
        %get3A_451 = vector.shape_cast %get3A_450 : vector<1x16xf32> to vector<16xf32>
        %add3A_452 = arith.addf %add3A_438, %get3A_451 : vector<16xf32>
        %add3A_453 = arith.constant 24 : i32
        %add3A_454 = arith.addi %mul3A_120, %add3A_453 : i32
        %get3A_455 = arith.index_cast %add3A_454 : i32 to index
        %get3A_456 = arith.constant 0 : index
        %get3A_457 = tpu.vector_load %arg9[%get3A_455, %get3A_456] {strides = array<i32>} : memref<416x32xf32, #tpu.memory_space<vmem>>, vector<1x16xf32>,
        %get3A_458 = vector.shape_cast %get3A_457 : vector<1x16xf32> to vector<16xf32>
        %add3A_459 = arith.addf %add3A_445, %get3A_458 : vector<16xf32>
        %add3A_460 = arith.constant 24 : i32
        %add3A_461 = arith.addi %mul3A_120, %add3A_460 : i32
        %get3A_462 = arith.index_cast %add3A_461 : i32 to index
        %get3A_463 = arith.constant 16 : index
        %get3A_464 = tpu.vector_load %arg9[%get3A_462, %get3A_463] {strides = array<i32>} : memref<416x32xf32, #tpu.memory_space<vmem>>, vector<1x16xf32>,
        %get3A_465 = vector.shape_cast %get3A_464 : vector<1x16xf32> to vector<16xf32>
        %add3A_466 = arith.addf %add3A_452, %get3A_465 : vector<16xf32>
        %add3A_467 = arith.constant 25 : i32
        %add3A_468 = arith.addi %mul3A_120, %add3A_467 : i32
        %get3A_469 = arith.index_cast %add3A_468 : i32 to index
        %get3A_470 = arith.constant 0 : index
        %get3A_471 = tpu.vector_load %arg9[%get3A_469, %get3A_470] {strides = array<i32>} : memref<416x32xf32, #tpu.memory_space<vmem>>, vector<1x16xf32>,
        %get3A_472 = vector.shape_cast %get3A_471 : vector<1x16xf32> to vector<16xf32>
        %add3A_473 = arith.addf %add3A_459, %get3A_472 : vector<16xf32>
        %add3A_474 = arith.constant 25 : i32
        %add3A_475 = arith.addi %mul3A_120, %add3A_474 : i32
        %get3A_476 = arith.index_cast %add3A_475 : i32 to index
        %get3A_477 = arith.constant 16 : index
        %get3A_478 = tpu.vector_load %arg9[%get3A_476, %get3A_477] {strides = array<i32>} : memref<416x32xf32, #tpu.memory_space<vmem>>, vector<1x16xf32>,
        %get3A_479 = vector.shape_cast %get3A_478 : vector<1x16xf32> to vector<16xf32>
        %add3A_480 = arith.addf %add3A_466, %get3A_479 : vector<16xf32>
        %swap3A = arith.index_cast %add3A_123 : i32 to index
        %swap3A_481 = arith.constant 0 : index
        %swap3A_482 = tpu.vector_load %arg10[%swap3A, %swap3A_481] {strides = array<i32>} : memref<512x32xf32, #tpu.memory_space<vmem>>, vector<1x16xf32>,
        %swap3A_483 = vector.shape_cast %swap3A_482 : vector<1x16xf32> to vector<16xf32>
        %swap3A_484 = vector.shape_cast %add3A_473 : vector<16xf32> to vector<1x16xf32>
        tpu.vector_store %arg10[%swap3A, %swap3A_481], %swap3A_484 {strides = array<i32>} : memref<512x32xf32, #tpu.memory_space<vmem>>, vector<1x16xf32>,
        %swap3A_485 = arith.index_cast %add3A_123 : i32 to index
        %swap3A_486 = arith.constant 16 : index
        %swap3A_487 = tpu.vector_load %arg10[%swap3A_485, %swap3A_486] {strides = array<i32>} : memref<512x32xf32, #tpu.memory_space<vmem>>, vector<1x16xf32>,
        %swap3A_488 = vector.shape_cast %swap3A_487 : vector<1x16xf32> to vector<16xf32>
        %swap3A_489 = vector.shape_cast %add3A_480 : vector<16xf32> to vector<1x16xf32>
        tpu.vector_store %arg10[%swap3A_485, %swap3A_486], %swap3A_489 {strides = array<i32>} : memref<512x32xf32, #tpu.memory_space<vmem>>, vector<1x16xf32>,
      }
      %scan3A_110 = arith.constant 16 : i32
      %add3A_111 = arith.constant 4 : i32
      %add3A_112 = arith.addi %add3A_98, %add3A_111 : i32
      %lt3A_113 = arith.constant 32 : i32
      %lt3A_114 = arith.cmpi slt, %add3A_112, %lt3A_113 : i32
      %convert_element_type3A_115 = arith.extui %lt3A_114 : i1 to i32
      %cond3A_116 = arith.constant 0 : i32
      %cond3A_117 = arith.cmpi ne, %convert_element_type3A_115, %cond3A_116 : i32
      scf.if %cond3A_117 {
        %add3A_118 = arith.constant 4 : i32
        %add3A_119 = arith.addi %add3A_98, %add3A_118 : i32
        %mul3A_120 = arith.constant 416 : i32
        %mul3A_121 = arith.muli %add3A_119, %mul3A_120 : i32
        %dma_start3A_122 = tpu.memref_slice %arg5[%mul3A_121] : memref<13312xi32, #tpu.memory_space<vmem>> -> memref<416xi32, #tpu.memory_space<vmem>>
        %dma_start3A_123 = arith.constant 0 : i32
        %dma_start3A_124 = arith.constant 0 : i32
        %dma_start3A_125 = tpu.memref_slice %arg3[%dma_start3A_123, %dma_start3A_124] : memref<2600000x32xf32, #tpu.memory_space<hbm>> -> memref<2600000x32xf32, #tpu.memory_space<hbm>>
        tpu.enqueue_indirect_dma source(%dma_start3A_125 : memref<2600000x32xf32, #tpu.memory_space<hbm>>) target(%arg9 : memref<416x32xf32, #tpu.memory_space<vmem>>) offsets(%dma_start3A_122 : memref<416xi32, #tpu.memory_space<vmem>>) semaphore(%arg14 : memref<!tpu.dma_semaphore, #tpu.memory_space<semaphore_mem>>)
      } else {
      }
    }
    %scan3A_32 = arith.constant 8 : i32
    %mul3A_33 = arith.constant 512 : i32
    %mul3A_34 = arith.muli %add3A, %mul3A_33 : i32
    "tpu.region"() ({
      %run_scoped3A = tpu.sem_alloc : memref<!tpu.dma_semaphore, #tpu.memory_space<semaphore_mem>>
      %dma_start3A_35 = arith.constant 0 : i32
      %dma_start3A_36 = tpu.memref_slice %arg4[%mul3A_34, %dma_start3A_35] : memref<16384x32xf32, #tpu.memory_space<hbm>> -> memref<512x32xf32, #tpu.memory_space<hbm>>
      %dma_start3A_37 = arith.constant 0 : i32
      %dma_start3A_38 = tpu.memref_slice %arg4[%mul3A_34, %dma_start3A_37] : memref<16384x32xf32, #tpu.memory_space<hbm>> -> memref<512x32xf32, #tpu.memory_space<hbm>>
      tpu.enqueue_dma source(%arg10 : memref<512x32xf32, #tpu.memory_space<vmem>>) target(%dma_start3A_38 : memref<512x32xf32, #tpu.memory_space<hbm>>) target_semaphore(%run_scoped3A : memref<!tpu.dma_semaphore, #tpu.memory_space<semaphore_mem>>)
      %dma_wait3A = arith.constant 0 : i32
      %dma_wait3A_39 = tpu.memref_slice %arg4[%mul3A_34, %dma_wait3A] : memref<16384x32xf32, #tpu.memory_space<hbm>> -> memref<512x32xf32, #tpu.memory_space<hbm>>
      %dma_wait3A_40 = arith.constant 0 : i32
      %dma_wait3A_41 = tpu.memref_slice %arg4[%mul3A_34, %dma_wait3A_40] : memref<16384x32xf32, #tpu.memory_space<hbm>> -> memref<512x32xf32, #tpu.memory_space<hbm>>
      tpu.wait_dma2 semaphore(%run_scoped3A : memref<!tpu.dma_semaphore, #tpu.memory_space<semaphore_mem>>) src(%arg10 : memref<512x32xf32, #tpu.memory_space<vmem>>) dst(%dma_wait3A_41 : memref<512x32xf32, #tpu.memory_space<hbm>>)
      tpu.yield
    }) : () -> ()
    return
  }
}

</mosaic_0001>

<sc_bundles>
// kernel: kernel.3.cloned.1.call-start
scs
__scs_entry_jumppad:
0x0: {  	(pc) =	sbr.rel $0x88, $3  }
0x1: {  	(tag) =	ssettag $0x0;
	lr =	simm.s32 $0x1  }
0x2: {  	[smem:$0x3F9F] =	sst lr;
	_ =	strace $0xD0000000  }
0x3: {  	_ = 	snop  }
0x4: {  	_ = 	snop  }
0x5: {  	_ = 	snop  }
0x6: {  	_ = 	snop  }
0x7: {  	_ = 	snop  }
__scs_overlays_trampoline_lowered:
0x8: {  	[smem:$0x3FAE] =	sst s0  }
0x9: {  	[smem:$0x3FAF] =	sst s1  }
0xa: {  	[smem:$0x3FB0] =	sst s2  }
0xb: {  	[smem:$0x3FB1] =	sst s3  }
0xc: {  	[smem:$0x3FB2] =	sst s4  }
0xd: {  	[smem:$0x3FB3] =	sst s5  }
0xe: {  	[smem:$0x3FB4] =	sst s6  }
0xf: {  	[smem:$0x3FB5] =	sst s7  }
0x10: {  	[smem:$0x3FB6] =	sst s8  }
0x11: {  	[smem:$0x3FB7] =	sst s9;
	s0 =	simm.s32 @!p0 $0x0  }
0x12: {  	s1 =	sld [smem:$0x3F9D];
	s0 =	simm.s32 @p0 $0x1  }
0x13: {  	[smem:$0x3FB8] =	sst s0;
	s0 =	simm.s32 @!p1 $0x0  }
0x14: {  	s2 =	sld [smem:$0x3F9C];
	s0 =	simm.s32 @p1 $0x1  }
0x15: {  	[smem:$0x3FB9] =	sst s0;
	s0 =	simm.s32 @!p2 $0x0  }
0x16: {  	s3 =	sld [smem:$0x3FDB];
	s0 =	simm.s32 @p2 $0x1  }
0x17: {  	s4 =	simm.s32 $0x1BF5;
	[smem:$0x3FBB] =	sst s0  }
0x18: {  	s0 =	sld [smem:$0x3F9E];
	_ =	swait.ge [sflag:s4], $0x0  }
0x19: {  	s7 =	sld [smem:$0x3F9F]  }
0x1a: {  	s8 =	sadd.s32 $0xFFFFE003, lr  }
0x1b: {  	s9 =	sadd.s32 $0xFFFFFEF7, lr;
	s5 =	simm.s32 $0xFFFFFFFF;
	p2 =	slt.u32 s8, $0xFFFFF086  }
0x1c: {  	p1 =	slt.u32 s9, $0xF7A;
	s5 =	simm.s32 @!p2 $0x0  }
0x1d: {  	s5 =	simm.s32 @p1 $0x1;
	p0 =	seq.s32 s7, s2  }
0x1e: {  	s7 =	smul.u32 @!p0 $0xF7A, s2;
	p2 =	seq.s32 @!p0 s5, $0x0  }
0x1f: {  	s9 =	smul.u32 $0xF7A, s1;
	s8 =	simm.s32 @!p0 $0x1BF5;
	p2 =	por !p2, p0  }
0x20: {  	[sflag:s8] =	ssyncset.s32 @!p0 $0xFFFFF086;
	s6 =	sadd.s32 @!p0 s3, s7;
	s7 =	simm.s32 @!p0 $0x108  }
0x21: {  	s3 =	sadd.s32 s3, s9;
	s6 =	sadd.s32 @!p0 $0x88, s6;
	s7 =	simm.s32 @p2 $0x1082  }
0x22: {  	[simem:s7], [sflag:s8] =	dma.local @!p0 [hbm:s6], $0xF7A  }
0x23: {  	s9 =	sor.u32 $0xD0000000, s2;
	s6 =	simm.s32 $0x108;
	_ =	swait.ge @!p0 [sflag:s8], $0x0  }
0x24: {  	s3 =	sadd.s32 $0x88, s3;
	s6 =	simm.s32 @!p1 $0x1082;
	[sflag:s4] =	ssyncset.s32 $0xFFFFF086  }
0x25: {  	[simem:s6], [sflag:s4] =	dma.local [hbm:s3], $0xF7A  }
0x26: {  	[smem:$0x3F9F] =	sst s1;
	(tag) =	ssettag s2;
	_ =	strace s9  }
0x27: {  	s1 =	sld [smem:$0x3FAF]  }
0x28: {  	s2 =	sld [smem:$0x3FB0]  }
0x29: {  	s4 =	sld [smem:$0x3FB2]  }
0x2a: {  	p0 =	seq.s32 s5, $0x0;
	s5 =	sld [smem:$0x3FB3]  }
0x2b: {  	s6 =	sld [smem:$0x3FB4]  }
0x2c: {  	s7 =	sld [smem:$0x3FB5]  }
0x2d: {  	s3 =	simm.s32 $0x108;
	s8 =	sld [smem:$0x3FB6]  }
0x2e: {  	s3 =	simm.s32 @!p0 $0x1082;
	s9 =	sld [smem:$0x3FB7]  }
0x2f: {  	lr =	sadd.s32 s0, s3;
	s0 =	sld [smem:$0x3FAE]  }
0x30: {  	s3 =	sld [smem:$0x3FB1]  }
0x31: {  	[smem:$0x3FBA] =	sst s10  }
0x32: {  	s10 =	sld [smem:$0x3FB8];
	_ =	sdelay $0x3  }
0x33: {  	p0 =	seq.s32 s10, $0x1;
	s10 =	sld [smem:$0x3FBA];
	_ =	sdelay $0x3  }
0x34: {  	[smem:$0x3FBA] =	sst s10  }
0x35: {  	s10 =	sld [smem:$0x3FB9];
	_ =	sdelay $0x3  }
0x36: {  	p1 =	seq.s32 s10, $0x1;
	s10 =	sld [smem:$0x3FBA];
	_ =	sdelay $0x3  }
0x37: {  	[smem:$0x3FBA] =	sst s10  }
0x38: {  	s10 =	sld [smem:$0x3FBB]  }
0x39: {  	_ = 	snop;
	(pc) =	sbr.ind lr, $3  }
0x3a: {  	_ = 	snop  }
0x3b: {  	_ = 	snop  }
0x3c: {  	p2 =	seq.s32 s10, $0x1;
	s10 =	sld [smem:$0x3FBA]  }
0x3d: {  	_ =	shalt  }
0x3e: {  	_ =	shalt  }
0x3f: {  	_ =	shalt  }
0x40: {  	_ =	shalt  }
0x41: {  	_ =	shalt  }
0x42: {  	_ =	shalt  }
0x43: {  	_ =	shalt  }
0x44: {  	_ =	shalt  }
0x45: {  	_ =	shalt  }
0x46: {  	_ =	shalt  }
0x47: {  	_ =	shalt  }
0x48: {  	_ =	shalt  }
0x49: {  	_ =	shalt  }
0x4a: {  	_ =	shalt  }
0x4b: {  	_ =	shalt  }
0x4c: {  	_ =	shalt  }
0x4d: {  	_ =	shalt  }
0x4e: {  	_ =	shalt  }
0x4f: {  	_ =	shalt  }
0x50: {  	_ =	shalt  }
0x51: {  	_ =	shalt  }
0x52: {  	_ =	shalt  }
0x53: {  	_ =	shalt  }
0x54: {  	_ =	shalt  }
0x55: {  	_ =	shalt  }
0x56: {  	_ =	shalt  }
0x57: {  	_ =	shalt  }
0x58: {  	_ =	shalt  }
0x59: {  	_ =	shalt  }
0x5a: {  	_ =	shalt  }
0x5b: {  	_ =	shalt  }
0x5c: {  	_ =	shalt  }
0x5d: {  	_ =	shalt  }
0x5e: {  	_ =	shalt  }
0x5f: {  	_ =	shalt  }
0x60: {  	_ =	shalt  }
0x61: {  	_ =	shalt  }
0x62: {  	_ =	shalt  }
0x63: {  	_ =	shalt  }
0x64: {  	_ =	shalt  }
0x65: {  	_ =	shalt  }
0x66: {  	_ =	shalt  }
0x67: {  	_ =	shalt  }
0x68: {  	_ =	shalt  }
0x69: {  	_ =	shalt  }
0x6a: {  	_ =	shalt  }
0x6b: {  	_ =	shalt  }
0x6c: {  	_ =	shalt  }
0x6d: {  	_ =	shalt  }
0x6e: {  	_ =	shalt  }
0x6f: {  	_ =	shalt  }
0x70: {  	_ =	shalt  }
0x71: {  	_ =	shalt  }
0x72: {  	_ =	shalt  }
0x73: {  	_ =	shalt  }
0x74: {  	_ =	shalt  }
0x75: {  	_ =	shalt  }
0x76: {  	_ =	shalt  }
0x77: {  	_ =	shalt  }
0x78: {  	_ =	shalt  }
0x79: {  	_ =	shalt  }
0x7a: {  	_ =	shalt  }
0x7b: {  	_ =	shalt  }
0x7c: {  	_ =	shalt  }
0x7d: {  	_ =	shalt  }
0x7e: {  	_ =	shalt  }
0x7f: {  	_ =	shalt  }
0x80: {  	_ =	shalt  }
0x81: {  	_ =	shalt  }
0x82: {  	_ =	shalt  }
0x83: {  	_ =	shalt  }
0x84: {  	_ =	shalt  }
0x85: {  	_ =	shalt  }
0x86: {  	_ =	shalt  }
0x87: {  	_ =	shalt  }
.Lfunc_end0:
.L_simem_size_0:
called_computation_lowered:
.L_overlay_start_0:
0x88: {  	s2 =	sld [smem:$0x3FD9]  }
0x89: {  	s3 =	sld [smem:$0x3FFE];
	_ =	sdelay $0x1  }
0x8a: {  	s1 =	srdreg.scid  }
0x8b: {  	s0 =	sand.u32 $0x1, s1  }
0x8c: {  	s17 =	sshll.u32 s0, $0xA;
	s2 =	sadd.s32 s3, s2  }
0x8d: {  	s2 =	sadd.s32 s2, s17  }
0x8e: {  	[smem:$0x3FC6] =	sst s2  }
0x8f: {  	_ = 	snop  }
0x90: {  	s2 =	sld [smem:$0x3FD0];
	(tm) =	ssettm $0x1  }
0x91: {  	s18 =	sld [smem:$0x3FFB];
	_ =	sdelay $0x3  }
0x92: {  	_ =	strace s18  }
0x93: {  	s3 =	sld [smem:$0x3FFC];
	_ =	sdelay $0x3  }
0x94: {  	_ =	strace s3  }
0x95: {  	s3 =	sld [smem:$0x3FFD];
	_ =	sdelay $0x3  }
0x96: {  	_ =	strace s3  }
0x97: {  	_ =	strace $0x8FFFFFFF  }
0x98: {  	s19 =	sld [smem:$0x3FDB];
	_ =	sdelay $0x1  }
0x99: {  	s4 =	simm.s32 $_scs_section_size  }
0x9a: {  	s5 =	simm.s32 $_size__tile_overlayer_lowered;
	s6 =	simm.s32 $_tile_overlayer_lowered  }
0x9b: {  	s22 =	simm.s32 $0x1BFF;
	s21 =	sshll.u32 s6, $0x1;
	s3 =	sadd.s32 s4, s19  }
0x9c: {  	s7 =	simm.s32 $0x0;
	s20 =	sshll.u32 s5, $0x1;
	s5 =	sadd.s32 s21, s3  }
0x9d: {  	[timem:s7], [sflag:s22] =	dma.local [hbm:s5], s20  }
0x9e: {  	_ =	swait.ge [sflag:s22], s20  }
0x9f: {  	s4 =	ssub.s32 $0x0, s20;
	[sflag:s22] =	ssyncset.done $0x0  }
0xa0: {  	[sflag:s22] =	ssyncadd.s32 s4;
	_ =	sdelay $0x1  }
0xa1: {  	s23 =	simm.s32 $0x1B8B  }
0xa2: {  	_ =	swait.ge [sflag:s23], $0x1  }
0xa3: {  	[sflag:s23] =	ssyncset.done $0x0  }
0xa4: {  	s25 =	simm.s32 $0x1B8E;
	s24 =	sld [smem:$0x3FFE];
	[sflag:s23] =	ssyncadd.s32 $0xFFFFFFFF  }
0xa5: {  	s26 =	simm.s32 $execute0_lowered;
	[smem:$0x3FD2] =	sst s25  }
0xa6: {  	s5 =	sshll.u32 s26, $0x1;
	_ =	strace $0x80000046;
	[dreg:$0x1] =	wrdreg $0xFFFFFFFF  }
0xa7: {  	s28 =	simm.s32 $_size_execute0_lowered;
	s3 =	sadd.s32 s3, s5;
	[dreg:$0x0] =	wrdreg $0x0  }
0xa8: {  	s5 =	sshll.u32 s28, $0x1;
	[dreg:$0x2] =	wrdreg s3  }
0xa9: {  	[dreg:$0x3] =	wrdreg s5  }
0xaa: {  	[dreg:$0x4] =	wrdreg $0xC0  }
0xab: {  	_ =	task [dreg:s7], $0x5FFFF  }
0xac: {  	[dreg:$0x1] =	wrdreg $0xFFFFFFFF  }
0xad: {  	[dreg:$0x0] =	wrdreg $0x60  }
0xae: {  	[dreg:$0x2] =	wrdreg s24  }
0xaf: {  	[dreg:$0x3] =	wrdreg s2  }
0xb0: {  	[dreg:$0x4] =	wrdreg $0x9  }
0xb1: {  	_ =	task.clear_ibuf [dreg:s7], $0x5FFFF;
	_ =	strace $0x90000046  }
0xb2: {  	s29 =	simm.s32 $0x9;
	_ =	strace $0x80000048  }
0xb3: {  	_ =	swait.ge [sflag:s29], $0x1  }
0xb4: {  	[sflag:s29] =	ssyncadd.s32 $0xFFFFFFFF  }
0xb5: {  	_ =	strace $0x90000048  }
0xb6: {  	_ =	sfence  }
0xb7: {  	s30 =	sld [smem:$0x0];
	_ =	sdelay $0x2  }
0xb8: {  	s31 =	sshll.u32 s1, $0xD;
	s1 =	sshrl.u32 s1, $0x2  }
0xb9: {  	s3 =	sand.u32 $0x4000, s31;
	s1 =	sadd.s32 s1, s30  }
0xba: {  	s0 =	sor.u32 s3, s0;
	s1 =	sshll.u32 s1, $0x11  }
0xbb: {  	s0 =	sor.u32 s1, s0  }
0xbc: {  	s0 =	sadd.s32 $0x8F2B, s0  }
0xbd: {  	[sflag:s0] =	ssyncadd.remote.s32 $0x1  }
0xbe: {  	_ =	sfence.sel $0xFFFF  }
0xbf: {  	[dreg:$0x0] =	wrdreg $0xFFFFFFFF;
	(pc) =	sbr.abs _section_cstart, $3  }
0xc0: {  	[dreg:$0x1] =	wrdreg $0xFFFFFFFF  }
0xc1: {  	_ =	task.clear_ibuf [dreg:s7], $0x2FFFF;
	_ =	strace $0x9FFFFFFF  }
0xc2: {  	(tm) =	ssettm $0x7FFFFFFF  }
0xc3: {  	_ =	shalt  }
tec
execute0_lowered:
.L_overlay_start_1:
0x0: {  	(tag) =	ssettag $0x1  }
0x1: {  	s1 =	srdreg.scid  }
0x2: {  	s0 =	stileid.u32;
	s3 =	rddreg [dreg:$0x0]  }
0x3: {  	s5 =	rddreg [dreg:$0x1];
	s2 =	simm.s32 $0x0;
	s9 =	simm.s32 $0x3400  }
0x4: {  	s10 =	simm.s32 $0x6800;
	s11 =	simm.s32 $0x340;
	s12 =	simm.s32 $0x9C00  }
0x5: {  	s13 =	simm.s32 $0x4E0;
	s14 =	simm.s32 $0xD000;
	s15 =	simm.s32 $0x1  }
0x6: {  	s16 =	simm.s32 $0x2;
	s17 =	simm.s32 $0x3;
	s18 =	simm.s32 $0x4  }
0x7: {  	s19 =	simm.s32 $0x10400;
	s4 =	sand.u32 $0x1, s1;
	s1 =	rddreg [dreg:$0x2]  }
0x8: {  	s20 =	simm.s32 $0x0;
	s31 =	sshll.u32 s0, $0x1;
	[smem:$0x7FF] =	sst s2  }
.Ltmp0:
0x9: {  	s6 =	sor.u32 s4, s31;
	s4 =	ssub.s32 $0x2, s4;
	(pc) =	sbr.rel .LBB2_1-.Ltmp0, $4  }
0xa: {  	s7 =	smul.u32 $0x680, s6;
	s8 =	sshrl.u32 s4, $0x1;
	s6 =	sshll.u32 s6, $0xB  }
0xb: {  	_ =	strace $0x80000047;
	s8 =	ssub.s32 s4, s8;
	s5 =	sadd.s32 s5, s6  }
0xc: {  	s7 =	sadd.s32 s7, s3;
	s3 =	sadd.s32 $0x27ACA00, s3;
	s6 =	smax.u32 s8, $0x1  }
0xd: {  	v0 =	vlaneseq.u32;
	s8 =	simm.s32 $0x1A0;
	s4 =	sadd.s32 $0x600, s7;
	s7 =	simm.s32 $0x5  }
.LBB2_14:
0xe: {  	s20 =	sadd.s32 $0x1, s20  }
0xf: {  	p0 =	sne.s32 s20, s6  }
.Ltmp1:
0x10: {  	_ = 	snop;
	(pc) =	sbr.rel @!p0 .LBB2_15-.Ltmp1, $4  }
0x11: {  	[hbm4b:s5+s2] =	stream.linear.scatter [tilespmem:s19], [sflag:$0x5], $0x4000, $0x38;
	[tilespmem:$0x14400] =	vst v63  }
0x12: {  	_ =	swait.ge [sflag:s7], $0x4000  }
0x13: {  	[sflag:s7] =	ssyncset.done $0x0  }
0x14: {  	[sflag:s7] =	ssyncadd.s32 $0xFFFFC000  }
.LBB2_1:
0x15: {  	v1 =	vor.u32 s2, v0  }
0x16: {  	v2 =	vmulhi.u32 $0x4EC4EC4F, v1  }
0x17: {  	[tilespmem:s2], [sflag:$0x5] =	stream.linear.gather [hbm4b:s4+s2], $0x3400, $0x38;
	[tilespmem:$0x14400] =	vst v63  }
0x18: {  	_ =	swait.ge [sflag:s7], $0x3400;
	v2 =	vshrl.u32 v2, $0x3  }
0x19: {  	[sflag:s7] =	ssyncset.done $0x0;
	v2 =	vmul.u32 $0x1A, v2  }
0x1a: {  	[sflag:s7] =	ssyncadd.s32 $0xFFFFCC00  }
0x1b: {  	v3 =	vsub.s32 v1, v2;
	v2 =	vld [tilespmem:s2+$0x0];
	_ =	sdelay $0x1  }
0x1c: {  	s21 =	simm.s32 $0x10  }
0x1d: {  	s22 =	simm.s32 $0x20;
	v1 =	vor.u32 s21, v0;
	s21 =	simm.s32 $0x0;
	v3 =	vmul.u32 $0x186A0, v3  }
.LBB2_2:
0x1e: {  	p0 =	sne.s32 s22, $0x33F0;
	v4 =	vmulhi.u32 $0x4EC4EC4F, v1  }
0x1f: {  	v2 =	vadd.s32 v3, v2  }
.Ltmp2:
0x20: {  	v3 =	vshrl.u32 v4, $0x3;
	[tilespmem:s21+$0x0] =	vst v2;
	s21 =	sadd.s32 $0x10, s21;
	(pc) =	sbr.rel @p0 .LBB2_2-.Ltmp2, $3  }
0x21: {  	v2 =	vld [tilespmem:s21+$0x0];
	v3 =	vmul.u32 $0x1A, v3;
	_ =	sdelay $0x1  }
0x22: {  	v3 =	vsub.s32 v1, v3  }
0x23: {  	v1 =	vor.u32 s22, v0;
	s22 =	sadd.s32 $0x10, s22;
	v3 =	vmul.u32 $0x186A0, v3  }
0x24: {  	v4 =	vmulhi.u32 $0x4EC4EC4F, v1  }
0x25: {  	v2 =	vadd.s32 v3, v2  }
0x26: {  	s31 =	sadd.s32 $0x10, s21;
	v3 =	vshrl.u32 v4, $0x3;
	[tilespmem:s21+$0x0] =	vst v2  }
0x27: {  	v2 =	vld [tilespmem:s31+$0x0];
	v3 =	vmul.u32 $0x1A, v3;
	_ =	sdelay $0x1  }
0x28: {  	v1 =	vsub.s32 v1, v3  }
0x29: {  	v1 =	vmul.u32 $0x186A0, v1;
	_ =	sdelay $0x1  }
0x2a: {  	v1 =	vadd.s32 v1, v2  }
0x2b: {  	s21 =	simm.s32 $0x0;
	[tilespmem:s31+$0x0] =	vst v1  }
0x2c: {  	[tilespmem:s9], [sflag:$0x1] =	stream.indirect.gather [hbm4b:s3+s8], $0x20, s21, s8, $0xb8;
	[tilespmem:$0x14400] =	vst v63  }
0x2d: {  	_ = 	snop  }
0x2e: {  	[tilespmem:s10], [sflag:$0x2] =	stream.indirect.gather [hbm4b:s3+s8], $0x20, s8, s8, $0xb8;
	[tilespmem:$0x14400] =	vst v63  }
0x2f: {  	s22 =	simm.s32 $0x10410  }
0x30: {  	[tilespmem:s12], [sflag:$0x3] =	stream.indirect.gather [hbm4b:s3+s8], $0x20, s11, s8, $0xb8;
	[tilespmem:$0x14400] =	vst v63  }
0x31: {  	s23 =	simm.s32 $0x10610;
	s24 =	simm.s32 $0x10810;
	s25 =	simm.s32 $0x10A10  }
0x32: {  	[tilespmem:s14], [sflag:$0x4] =	stream.indirect.gather [hbm4b:s3+s8], $0x20, s13, s8, $0xb8;
	[tilespmem:$0x14400] =	vst v63  }
.LBB2_4:
0x33: {  	_ =	swait.ge [sflag:s15], $0x3400  }
0x34: {  	[sflag:s15] =	ssyncset.done $0x0  }
0x35: {  	s28 =	simm.s32 $0x35A0;
	[sflag:s15] =	ssyncadd.s32 $0xFFFFCC00  }
0x36: {  	v2 =	vld [tilespmem:s28+$0xFFFFFE90]  }
0x37: {  	v3 =	vld [tilespmem:s28+$0xFFFFFE80]  }
0x38: {  	v5 =	vld [tilespmem:s28+$0xFFFFFE60]  }
0x39: {  	v1 =	vmov s22;
	s29 =	simm.s32 $0x80;
	s26 =	simm.s32 $0x0;
	v4 =	vld [tilespmem:s28+$0xFFFFFE70]  }
.LBB2_5:
0x3a: {  	p0 =	sne.s32 s29, $0x780;
	v6 =	vld [tilespmem:s28+$0xFFFFFEA0]  }
0x3b: {  	v7 =	vld [tilespmem:s28+$0xFFFFFEB0]  }
0x3c: {  	v8 =	vld [tilespmem:s28+$0xFFFFFEC0]  }
0x3d: {  	v3 =	vadd.f32 v3, v5;
	v5 =	vld [tilespmem:s28+$0xFFFFFED0]  }
0x3e: {  	v2 =	vadd.f32 v2, v4;
	v4 =	vld [tilespmem:s28+$0xFFFFFEE0]  }
0x3f: {  	v3 =	vadd.f32 v6, v3;
	v6 =	vld [tilespmem:s28+$0xFFFFFEF0]  }
0x40: {  	v2 =	vadd.f32 v7, v2;
	v7 =	vld [tilespmem:s28+$0xFFFFFF00]  }
0x41: {  	v3 =	vadd.f32 v8, v3;
	v8 =	vld [tilespmem:s28+$0xFFFFFF10]  }
0x42: {  	v2 =	vadd.f32 v5, v2;
	v5 =	vld [tilespmem:s28+$0xFFFFFF20]  }
0x43: {  	v3 =	vadd.f32 v4, v3;
	v4 =	vld [tilespmem:s28+$0xFFFFFF30]  }
0x44: {  	v2 =	vadd.f32 v6, v2;
	v6 =	vld [tilespmem:s28+$0xFFFFFF40]  }
0x45: {  	v3 =	vadd.f32 v7, v3;
	v7 =	vld [tilespmem:s28+$0xFFFFFF50]  }
0x46: {  	v2 =	vadd.f32 v8, v2;
	v8 =	vld [tilespmem:s28+$0xFFFFFF60]  }
0x47: {  	v3 =	vadd.f32 v5, v3;
	v5 =	vld [tilespmem:s28+$0xFFFFFF70]  }
0x48: {  	v2 =	vadd.f32 v4, v2;
	v4 =	vld [tilespmem:s28+$0xFFFFFF80]  }
0x49: {  	v3 =	vadd.f32 v6, v3;
	v6 =	vld [tilespmem:s28+$0xFFFFFF90]  }
0x4a: {  	v2 =	vadd.f32 v7, v2;
	v7 =	vld [tilespmem:s28+$0xFFFFFFA0]  }
0x4b: {  	v3 =	vadd.f32 v8, v3;
	v8 =	vld [tilespmem:s28+$0xFFFFFFB0]  }
0x4c: {  	v2 =	vadd.f32 v5, v2;
	v5 =	vld [tilespmem:s28+$0xFFFFFFC0]  }
0x4d: {  	v3 =	vadd.f32 v4, v3;
	v4 =	vld [tilespmem:s28+$0xFFFFFFD0]  }
0x4e: {  	v2 =	vadd.f32 v6, v2;
	v6 =	vld [tilespmem:s28+$0xFFFFFFE0]  }
0x4f: {  	v3 =	vadd.f32 v7, v3;
	v7 =	vld [tilespmem:s28+$0xFFFFFFF0]  }
0x50: {  	v2 =	vadd.f32 v8, v2;
	v8 =	vld [tilespmem:s28+$0x0]  }
0x51: {  	v3 =	vadd.f32 v5, v3;
	v5 =	vld [tilespmem:s28+$0x10]  }
0x52: {  	v2 =	vadd.f32 v4, v2;
	v4 =	vld [tilespmem:s28+$0x20]  }
0x53: {  	v3 =	vadd.f32 v6, v3;
	v6 =	vld [tilespmem:s28+$0x30]  }
0x54: {  	v2 =	vadd.f32 v7, v2;
	v7 =	vld [tilespmem:s28+$0x40]  }
0x55: {  	v3 =	vadd.f32 v8, v3;
	v8 =	vld [tilespmem:s28+$0x50]  }
0x56: {  	v2 =	vadd.f32 v5, v2;
	v5 =	vld [tilespmem:s28+$0x60]  }
0x57: {  	v3 =	vadd.f32 v4, v3;
	v4 =	vld [tilespmem:s28+$0x70]  }
0x58: {  	v2 =	vadd.f32 v6, v2;
	v6 =	vld [tilespmem:s28+$0x80]  }
0x59: {  	v3 =	vadd.f32 v7, v3;
	v7 =	vld [tilespmem:s28+$0x90]  }
0x5a: {  	v2 =	vadd.f32 v8, v2;
	v8 =	vld [tilespmem:s28+$0xA0]  }
0x5b: {  	v3 =	vadd.f32 v5, v3;
	v5 =	vld [tilespmem:s28+$0xB0]  }
0x5c: {  	v2 =	vadd.f32 v4, v2;
	v4 =	vld [tilespmem:s28+$0xC0]  }
0x5d: {  	v3 =	vadd.f32 v6, v3;
	v6 =	vld [tilespmem:s28+$0xD0]  }
0x5e: {  	v2 =	vadd.f32 v7, v2;
	v7 =	vld [tilespmem:s28+$0xE0]  }
0x5f: {  	v3 =	vadd.f32 v8, v3;
	v8 =	vld [tilespmem:s28+$0xF0]  }
0x60: {  	v2 =	vadd.f32 v5, v2;
	v5 =	vld [tilespmem:s28+$0x100]  }
0x61: {  	v3 =	vadd.f32 v4, v3;
	v4 =	vld [tilespmem:s28+$0x110]  }
0x62: {  	v2 =	vadd.f32 v6, v2;
	v6 =	vld [tilespmem:s28+$0x120]  }
0x63: {  	v3 =	vadd.f32 v7, v3;
	v7 =	vld [tilespmem:s28+$0x130]  }
0x64: {  	v2 =	vadd.f32 v8, v2;
	v8 =	vld [tilespmem:s28+$0x140]  }
0x65: {  	v3 =	vadd.f32 v5, v3;
	v5 =	vld [tilespmem:s28+$0x150]  }
0x66: {  	v2 =	vadd.f32 v4, v2;
	v4 =	vld [tilespmem:s28+$0x160]  }
0x67: {  	v3 =	vadd.f32 v6, v3;
	v6 =	vld [tilespmem:s28+$0x170]  }
0x68: {  	v2 =	vadd.f32 v7, v2;
	v7 =	vld [tilespmem:s28+$0x180]  }
0x69: {  	v3 =	vadd.f32 v8, v3;
	v8 =	vld [tilespmem:s28+$0x190]  }
0x6a: {  	v2 =	vadd.f32 v5, v2  }
0x6b: {  	v3 =	vadd.f32 v4, v3  }
0x6c: {  	v2 =	vadd.f32 v6, v2  }
0x6d: {  	v3 =	vadd.f32 v7, v3  }
0x6e: {  	s30 =	sshra.s32 s26, $0x2;
	s26 =	smov.u32 s29;
	v2 =	vadd.f32 v8, v2  }
0x6f: {  	[tilespmem:v1+s30+$0xFFFFFFF0 ss:$0x1] =	vst.idx.msk $0xffff, v3  }
.Ltmp3:
0x70: {  	s28 =	sadd.s32 $0x340, s28;
	[tilespmem:v1+s30+$0x0 ss:$0x1] =	vst.idx.msk $0xffff, v2;
	(pc) =	sbr.rel @p0 .LBB2_5-.Ltmp3, $4  }
0x71: {  	v2 =	vld [tilespmem:s28+$0xFFFFFE90]  }
0x72: {  	v3 =	vld [tilespmem:s28+$0xFFFFFE80]  }
0x73: {  	v5 =	vld [tilespmem:s28+$0xFFFFFE60]  }
0x74: {  	s29 =	sadd.s32 $0x80, s29;
	v4 =	vld [tilespmem:s28+$0xFFFFFE70]  }
0x75: {  	v6 =	vld [tilespmem:s28+$0xFFFFFEA0]  }
0x76: {  	v7 =	vld [tilespmem:s28+$0xFFFFFEB0]  }
0x77: {  	v8 =	vld [tilespmem:s28+$0xFFFFFEC0]  }
0x78: {  	v3 =	vadd.f32 v3, v5;
	v5 =	vld [tilespmem:s28+$0xFFFFFED0]  }
0x79: {  	v2 =	vadd.f32 v2, v4;
	v4 =	vld [tilespmem:s28+$0xFFFFFEE0]  }
0x7a: {  	v3 =	vadd.f32 v6, v3;
	v6 =	vld [tilespmem:s28+$0xFFFFFEF0]  }
0x7b: {  	v2 =	vadd.f32 v7, v2;
	v7 =	vld [tilespmem:s28+$0xFFFFFF00]  }
0x7c: {  	v55 =	vld [tilespmem:s28+$0xFFFFFF10];
	v3 =	vadd.f32 v8, v3  }
0x7d: {  	v2 =	vadd.f32 v5, v2;
	v5 =	vld [tilespmem:s28+$0xFFFFFF20]  }
0x7e: {  	v3 =	vadd.f32 v4, v3;
	v4 =	vld [tilespmem:s28+$0xFFFFFF30]  }
0x7f: {  	v2 =	vadd.f32 v6, v2;
	v6 =	vld [tilespmem:s28+$0xFFFFFF40]  }
0x80: {  	v3 =	vadd.f32 v7, v3;
	v7 =	vld [tilespmem:s28+$0xFFFFFF50]  }
0x81: {  	v56 =	vld [tilespmem:s28+$0xFFFFFF60];
	v2 =	vadd.f32 v55, v2  }
0x82: {  	v3 =	vadd.f32 v5, v3;
	v5 =	vld [tilespmem:s28+$0xFFFFFF70]  }
0x83: {  	v2 =	vadd.f32 v4, v2;
	v4 =	vld [tilespmem:s28+$0xFFFFFF80]  }
0x84: {  	v3 =	vadd.f32 v6, v3;
	v6 =	vld [tilespmem:s28+$0xFFFFFF90]  }
0x85: {  	v2 =	vadd.f32 v7, v2;
	v7 =	vld [tilespmem:s28+$0xFFFFFFA0]  }
0x86: {  	v57 =	vld [tilespmem:s28+$0xFFFFFFB0];
	v3 =	vadd.f32 v56, v3  }
0x87: {  	v2 =	vadd.f32 v5, v2;
	v5 =	vld [tilespmem:s28+$0xFFFFFFC0]  }
0x88: {  	v3 =	vadd.f32 v4, v3;
	v4 =	vld [tilespmem:s28+$0xFFFFFFD0]  }
0x89: {  	v2 =	vadd.f32 v6, v2;
	v6 =	vld [tilespmem:s28+$0xFFFFFFE0]  }
0x8a: {  	v3 =	vadd.f32 v7, v3;
	v7 =	vld [tilespmem:s28+$0xFFFFFFF0]  }
0x8b: {  	v58 =	vld [tilespmem:s28+$0x0];
	v2 =	vadd.f32 v57, v2  }
0x8c: {  	v3 =	vadd.f32 v5, v3;
	v5 =	vld [tilespmem:s28+$0x10]  }
0x8d: {  	v2 =	vadd.f32 v4, v2;
	v4 =	vld [tilespmem:s28+$0x20]  }
0x8e: {  	v3 =	vadd.f32 v6, v3;
	v6 =	vld [tilespmem:s28+$0x30]  }
0x8f: {  	v2 =	vadd.f32 v7, v2;
	v7 =	vld [tilespmem:s28+$0x40]  }
0x90: {  	v59 =	vld [tilespmem:s28+$0x50];
	v3 =	vadd.f32 v58, v3  }
0x91: {  	v2 =	vadd.f32 v5, v2;
	v5 =	vld [tilespmem:s28+$0x60]  }
0x92: {  	v3 =	vadd.f32 v4, v3;
	v4 =	vld [tilespmem:s28+$0x70]  }
0x93: {  	v2 =	vadd.f32 v6, v2;
	v6 =	vld [tilespmem:s28+$0x80]  }
0x94: {  	v3 =	vadd.f32 v7, v3;
	v7 =	vld [tilespmem:s28+$0x90]  }
0x95: {  	v60 =	vld [tilespmem:s28+$0xA0];
	v2 =	vadd.f32 v59, v2  }
0x96: {  	v3 =	vadd.f32 v5, v3;
	v5 =	vld [tilespmem:s28+$0xB0]  }
0x97: {  	v2 =	vadd.f32 v4, v2;
	v4 =	vld [tilespmem:s28+$0xC0]  }
0x98: {  	v3 =	vadd.f32 v6, v3;
	v6 =	vld [tilespmem:s28+$0xD0]  }
0x99: {  	v2 =	vadd.f32 v7, v2;
	v7 =	vld [tilespmem:s28+$0xE0]  }
0x9a: {  	v61 =	vld [tilespmem:s28+$0xF0];
	v3 =	vadd.f32 v60, v3  }
0x9b: {  	v2 =	vadd.f32 v5, v2;
	v5 =	vld [tilespmem:s28+$0x100]  }
0x9c: {  	v3 =	vadd.f32 v4, v3;
	v4 =	vld [tilespmem:s28+$0x110]  }
0x9d: {  	v2 =	vadd.f32 v6, v2;
	v6 =	vld [tilespmem:s28+$0x120]  }
0x9e: {  	v3 =	vadd.f32 v7, v3;
	v7 =	vld [tilespmem:s28+$0x130]  }
0x9f: {  	v62 =	vld [tilespmem:s28+$0x140];
	v2 =	vadd.f32 v61, v2  }
0xa0: {  	v3 =	vadd.f32 v5, v3;
	v5 =	vld [tilespmem:s28+$0x150]  }
0xa1: {  	v2 =	vadd.f32 v4, v2;
	v4 =	vld [tilespmem:s28+$0x160]  }
0xa2: {  	v3 =	vadd.f32 v6, v3;
	v6 =	vld [tilespmem:s28+$0x170]  }
0xa3: {  	v2 =	vadd.f32 v7, v2;
	v7 =	vld [tilespmem:s28+$0x180]  }
0xa4: {  	v63 =	vld [tilespmem:s28+$0x190];
	v3 =	vadd.f32 v62, v3  }
0xa5: {  	v2 =	vadd.f32 v5, v2  }
0xa6: {  	v3 =	vadd.f32 v4, v3  }
0xa7: {  	p0 =	seq.s32 s21, $0x7;
	v2 =	vadd.f32 v6, v2  }
0xa8: {  	s28 =	smul.u32 @!p0 $0x1A00, s21;
	v3 =	vadd.f32 v7, v3  }
0xa9: {  	s29 =	sshra.s32 s26, $0x2;
	v2 =	vadd.f32 v63, v2  }
0xaa: {  	s26 =	sshra.s32 @!p0 s28, $0x2;
	[tilespmem:v1+s29+$0xFFFFFFF0 ss:$0x1] =	vst.idx.msk $0xffff, v3  }
0xab: {  	s30 =	simm.s32 @!p0 $0x3400;
	s28 =	sadd.s32 @!p0 $0x680, s26;
	[tilespmem:v1+s29+$0x0 ss:$0x1] =	vst.idx.msk $0xffff, v2;
	s29 =	simm.s32 @!p0 $0x1A0  }
0xac: {  	[tilespmem:s30], [sflag:$0x1] =	stream.indirect.gather @!p0 [hbm4b:s3+s29], $0x20, s28, s29, $0xb8;
	[tilespmem:$0x14400] =	vst v63  }
0xad: {  	_ =	swait.ge [sflag:s16], $0x3400  }
0xae: {  	[sflag:s16] =	ssyncset.done $0x0  }
0xaf: {  	s29 =	simm.s32 $0x69A0;
	[sflag:s16] =	ssyncadd.s32 $0xFFFFCC00  }
0xb0: {  	v2 =	vld [tilespmem:s29+$0xFFFFFE90]  }
0xb1: {  	v3 =	vld [tilespmem:s29+$0xFFFFFE80]  }
0xb2: {  	v4 =	vld [tilespmem:s29+$0xFFFFFE60]  }
0xb3: {  	v1 =	vmov s23;
	s28 =	simm.s32 $0x0;
	s30 =	simm.s32 $0x80;
	v5 =	vld [tilespmem:s29+$0xFFFFFE70]  }
.LBB2_7:
0xb4: {  	p1 =	sne.s32 s30, $0x780;
	v6 =	vld [tilespmem:s29+$0xFFFFFEA0]  }
0xb5: {  	v7 =	vld [tilespmem:s29+$0xFFFFFEB0]  }
0xb6: {  	v8 =	vld [tilespmem:s29+$0xFFFFFEC0]  }
0xb7: {  	v3 =	vadd.f32 v3, v4;
	v4 =	vld [tilespmem:s29+$0xFFFFFED0]  }
0xb8: {  	v2 =	vadd.f32 v2, v5;
	v5 =	vld [tilespmem:s29+$0xFFFFFEE0]  }
0xb9: {  	v3 =	vadd.f32 v6, v3;
	v6 =	vld [tilespmem:s29+$0xFFFFFEF0]  }
0xba: {  	v2 =	vadd.f32 v7, v2;
	v7 =	vld [tilespmem:s29+$0xFFFFFF00]  }
0xbb: {  	v3 =	vadd.f32 v8, v3;
	v8 =	vld [tilespmem:s29+$0xFFFFFF10]  }
0xbc: {  	v2 =	vadd.f32 v4, v2;
	v4 =	vld [tilespmem:s29+$0xFFFFFF20]  }
0xbd: {  	v3 =	vadd.f32 v5, v3;
	v5 =	vld [tilespmem:s29+$0xFFFFFF30]  }
0xbe: {  	v2 =	vadd.f32 v6, v2;
	v6 =	vld [tilespmem:s29+$0xFFFFFF40]  }
0xbf: {  	v3 =	vadd.f32 v7, v3;
	v7 =	vld [tilespmem:s29+$0xFFFFFF50]  }
0xc0: {  	v2 =	vadd.f32 v8, v2;
	v8 =	vld [tilespmem:s29+$0xFFFFFF60]  }
0xc1: {  	v3 =	vadd.f32 v4, v3;
	v4 =	vld [tilespmem:s29+$0xFFFFFF70]  }
0xc2: {  	v2 =	vadd.f32 v5, v2;
	v5 =	vld [tilespmem:s29+$0xFFFFFF80]  }
0xc3: {  	v3 =	vadd.f32 v6, v3;
	v6 =	vld [tilespmem:s29+$0xFFFFFF90]  }
0xc4: {  	v2 =	vadd.f32 v7, v2;
	v7 =	vld [tilespmem:s29+$0xFFFFFFA0]  }
0xc5: {  	v3 =	vadd.f32 v8, v3;
	v8 =	vld [tilespmem:s29+$0xFFFFFFB0]  }
0xc6: {  	v2 =	vadd.f32 v4, v2;
	v4 =	vld [tilespmem:s29+$0xFFFFFFC0]  }
0xc7: {  	v3 =	vadd.f32 v5, v3;
	v5 =	vld [tilespmem:s29+$0xFFFFFFD0]  }
0xc8: {  	v2 =	vadd.f32 v6, v2;
	v6 =	vld [tilespmem:s29+$0xFFFFFFE0]  }
0xc9: {  	v3 =	vadd.f32 v7, v3;
	v7 =	vld [tilespmem:s29+$0xFFFFFFF0]  }
0xca: {  	v2 =	vadd.f32 v8, v2;
	v8 =	vld [tilespmem:s29+$0x0]  }
0xcb: {  	v3 =	vadd.f32 v4, v3;
	v4 =	vld [tilespmem:s29+$0x10]  }
0xcc: {  	v2 =	vadd.f32 v5, v2;
	v5 =	vld [tilespmem:s29+$0x20]  }
0xcd: {  	v3 =	vadd.f32 v6, v3;
	v6 =	vld [tilespmem:s29+$0x30]  }
0xce: {  	v2 =	vadd.f32 v7, v2;
	v7 =	vld [tilespmem:s29+$0x40]  }
0xcf: {  	v3 =	vadd.f32 v8, v3;
	v8 =	vld [tilespmem:s29+$0x50]  }
0xd0: {  	v2 =	vadd.f32 v4, v2;
	v4 =	vld [tilespmem:s29+$0x60]  }
0xd1: {  	v3 =	vadd.f32 v5, v3;
	v5 =	vld [tilespmem:s29+$0x70]  }
0xd2: {  	v2 =	vadd.f32 v6, v2;
	v6 =	vld [tilespmem:s29+$0x80]  }
0xd3: {  	v3 =	vadd.f32 v7, v3;
	v7 =	vld [tilespmem:s29+$0x90]  }
0xd4: {  	v2 =	vadd.f32 v8, v2;
	v8 =	vld [tilespmem:s29+$0xA0]  }
0xd5: {  	v3 =	vadd.f32 v4, v3;
	v4 =	vld [tilespmem:s29+$0xB0]  }
0xd6: {  	v2 =	vadd.f32 v5, v2;
	v5 =	vld [tilespmem:s29+$0xC0]  }
0xd7: {  	v3 =	vadd.f32 v6, v3;
	v6 =	vld [tilespmem:s29+$0xD0]  }
0xd8: {  	v2 =	vadd.f32 v7, v2;
	v7 =	vld [tilespmem:s29+$0xE0]  }
0xd9: {  	v3 =	vadd.f32 v8, v3;
	v8 =	vld [tilespmem:s29+$0xF0]  }
0xda: {  	v2 =	vadd.f32 v4, v2;
	v4 =	vld [tilespmem:s29+$0x100]  }
0xdb: {  	v3 =	vadd.f32 v5, v3;
	v5 =	vld [tilespmem:s29+$0x110]  }
0xdc: {  	v2 =	vadd.f32 v6, v2;
	v6 =	vld [tilespmem:s29+$0x120]  }
0xdd: {  	v3 =	vadd.f32 v7, v3;
	v7 =	vld [tilespmem:s29+$0x130]  }
0xde: {  	v2 =	vadd.f32 v8, v2;
	v8 =	vld [tilespmem:s29+$0x140]  }
0xdf: {  	v3 =	vadd.f32 v4, v3;
	v4 =	vld [tilespmem:s29+$0x150]  }
0xe0: {  	v2 =	vadd.f32 v5, v2;
	v5 =	vld [tilespmem:s29+$0x160]  }
0xe1: {  	v3 =	vadd.f32 v6, v3;
	v6 =	vld [tilespmem:s29+$0x170]  }
0xe2: {  	v2 =	vadd.f32 v7, v2;
	v7 =	vld [tilespmem:s29+$0x180]  }
0xe3: {  	v3 =	vadd.f32 v8, v3;
	v8 =	vld [tilespmem:s29+$0x190]  }
0xe4: {  	v2 =	vadd.f32 v4, v2  }
0xe5: {  	v3 =	vadd.f32 v5, v3  }
0xe6: {  	v2 =	vadd.f32 v6, v2  }
0xe7: {  	v3 =	vadd.f32 v7, v3  }
0xe8: {  	s31 =	sshra.s32 s28, $0x2;
	s28 =	smov.u32 s30;
	v2 =	vadd.f32 v8, v2  }
0xe9: {  	[tilespmem:v1+s31+$0xFFFFFFF0 ss:$0x1] =	vst.idx.msk $0xffff, v3  }
.Ltmp4:
0xea: {  	s29 =	sadd.s32 $0x340, s29;
	[tilespmem:v1+s31+$0x0 ss:$0x1] =	vst.idx.msk $0xffff, v2;
	(pc) =	sbr.rel @p1 .LBB2_7-.Ltmp4, $4  }
0xeb: {  	v2 =	vld [tilespmem:s29+$0xFFFFFE90]  }
0xec: {  	v3 =	vld [tilespmem:s29+$0xFFFFFE80]  }
0xed: {  	v4 =	vld [tilespmem:s29+$0xFFFFFE60]  }
0xee: {  	s30 =	sadd.s32 $0x80, s30;
	v5 =	vld [tilespmem:s29+$0xFFFFFE70]  }
0xef: {  	v6 =	vld [tilespmem:s29+$0xFFFFFEA0]  }
0xf0: {  	v7 =	vld [tilespmem:s29+$0xFFFFFEB0]  }
0xf1: {  	v8 =	vld [tilespmem:s29+$0xFFFFFEC0]  }
0xf2: {  	v3 =	vadd.f32 v3, v4;
	v4 =	vld [tilespmem:s29+$0xFFFFFED0]  }
0xf3: {  	v2 =	vadd.f32 v2, v5;
	v5 =	vld [tilespmem:s29+$0xFFFFFEE0]  }
0xf4: {  	v3 =	vadd.f32 v6, v3;
	v6 =	vld [tilespmem:s29+$0xFFFFFEF0]  }
0xf5: {  	v2 =	vadd.f32 v7, v2;
	v7 =	vld [tilespmem:s29+$0xFFFFFF00]  }
0xf6: {  	v55 =	vld [tilespmem:s29+$0xFFFFFF10];
	v3 =	vadd.f32 v8, v3  }
0xf7: {  	v2 =	vadd.f32 v4, v2;
	v4 =	vld [tilespmem:s29+$0xFFFFFF20]  }
0xf8: {  	v3 =	vadd.f32 v5, v3;
	v5 =	vld [tilespmem:s29+$0xFFFFFF30]  }
0xf9: {  	v2 =	vadd.f32 v6, v2;
	v6 =	vld [tilespmem:s29+$0xFFFFFF40]  }
0xfa: {  	v3 =	vadd.f32 v7, v3;
	v7 =	vld [tilespmem:s29+$0xFFFFFF50]  }
0xfb: {  	v56 =	vld [tilespmem:s29+$0xFFFFFF60];
	v2 =	vadd.f32 v55, v2  }
0xfc: {  	v3 =	vadd.f32 v4, v3;
	v4 =	vld [tilespmem:s29+$0xFFFFFF70]  }
0xfd: {  	v2 =	vadd.f32 v5, v2;
	v5 =	vld [tilespmem:s29+$0xFFFFFF80]  }
0xfe: {  	v3 =	vadd.f32 v6, v3;
	v6 =	vld [tilespmem:s29+$0xFFFFFF90]  }
0xff: {  	v2 =	vadd.f32 v7, v2;
	v7 =	vld [tilespmem:s29+$0xFFFFFFA0]  }
0x100: {  	v57 =	vld [tilespmem:s29+$0xFFFFFFB0];
	v3 =	vadd.f32 v56, v3  }
0x101: {  	v2 =	vadd.f32 v4, v2;
	v4 =	vld [tilespmem:s29+$0xFFFFFFC0]  }
0x102: {  	v3 =	vadd.f32 v5, v3;
	v5 =	vld [tilespmem:s29+$0xFFFFFFD0]  }
0x103: {  	v2 =	vadd.f32 v6, v2;
	v6 =	vld [tilespmem:s29+$0xFFFFFFE0]  }
0x104: {  	v3 =	vadd.f32 v7, v3;
	v7 =	vld [tilespmem:s29+$0xFFFFFFF0]  }
0x105: {  	v58 =	vld [tilespmem:s29+$0x0];
	v2 =	vadd.f32 v57, v2  }
0x106: {  	v3 =	vadd.f32 v4, v3;
	v4 =	vld [tilespmem:s29+$0x10]  }
0x107: {  	v2 =	vadd.f32 v5, v2;
	v5 =	vld [tilespmem:s29+$0x20]  }
0x108: {  	v3 =	vadd.f32 v6, v3;
	v6 =	vld [tilespmem:s29+$0x30]  }
0x109: {  	v2 =	vadd.f32 v7, v2;
	v7 =	vld [tilespmem:s29+$0x40]  }
0x10a: {  	v59 =	vld [tilespmem:s29+$0x50];
	v3 =	vadd.f32 v58, v3  }
0x10b: {  	v2 =	vadd.f32 v4, v2;
	v4 =	vld [tilespmem:s29+$0x60]  }
0x10c: {  	v3 =	vadd.f32 v5, v3;
	v5 =	vld [tilespmem:s29+$0x70]  }
0x10d: {  	v2 =	vadd.f32 v6, v2;
	v6 =	vld [tilespmem:s29+$0x80]  }
0x10e: {  	v3 =	vadd.f32 v7, v3;
	v7 =	vld [tilespmem:s29+$0x90]  }
0x10f: {  	v60 =	vld [tilespmem:s29+$0xA0];
	v2 =	vadd.f32 v59, v2  }
0x110: {  	v3 =	vadd.f32 v4, v3;
	v4 =	vld [tilespmem:s29+$0xB0]  }
0x111: {  	v2 =	vadd.f32 v5, v2;
	v5 =	vld [tilespmem:s29+$0xC0]  }
0x112: {  	v3 =	vadd.f32 v6, v3;
	v6 =	vld [tilespmem:s29+$0xD0]  }
0x113: {  	v2 =	vadd.f32 v7, v2;
	v7 =	vld [tilespmem:s29+$0xE0]  }
0x114: {  	v61 =	vld [tilespmem:s29+$0xF0];
	v3 =	vadd.f32 v60, v3  }
0x115: {  	v2 =	vadd.f32 v4, v2;
	v4 =	vld [tilespmem:s29+$0x100]  }
0x116: {  	v3 =	vadd.f32 v5, v3;
	v5 =	vld [tilespmem:s29+$0x110]  }
0x117: {  	v2 =	vadd.f32 v6, v2;
	v6 =	vld [tilespmem:s29+$0x120]  }
0x118: {  	v3 =	vadd.f32 v7, v3;
	v7 =	vld [tilespmem:s29+$0x130]  }
0x119: {  	v62 =	vld [tilespmem:s29+$0x140];
	v2 =	vadd.f32 v61, v2  }
0x11a: {  	v3 =	vadd.f32 v4, v3;
	v4 =	vld [tilespmem:s29+$0x150]  }
0x11b: {  	v2 =	vadd.f32 v5, v2;
	v5 =	vld [tilespmem:s29+$0x160]  }
0x11c: {  	v3 =	vadd.f32 v6, v3;
	v6 =	vld [tilespmem:s29+$0x170]  }
0x11d: {  	v2 =	vadd.f32 v7, v2;
	v7 =	vld [tilespmem:s29+$0x180]  }
0x11e: {  	v63 =	vld [tilespmem:s29+$0x190];
	v3 =	vadd.f32 v62, v3  }
0x11f: {  	v2 =	vadd.f32 v4, v2  }
0x120: {  	v3 =	vadd.f32 v5, v3  }
0x121: {  	v2 =	vadd.f32 v6, v2  }
0x122: {  	v3 =	vadd.f32 v7, v3  }
0x123: {  	s28 =	sshra.s32 s28, $0x2;
	v2 =	vadd.f32 v63, v2  }
0x124: {  	[tilespmem:v1+s28+$0xFFFFFFF0 ss:$0x1] =	vst.idx.msk $0xffff, v3  }
0x125: {  	s30 =	simm.s32 @!p0 $0x6800;
	s29 =	simm.s32 @!p0 $0x1A0;
	[tilespmem:v1+s28+$0x0 ss:$0x1] =	vst.idx.msk $0xffff, v2;
	s28 =	sadd.s32 @!p0 $0x820, s26  }
0x126: {  	[tilespmem:s30], [sflag:$0x2] =	stream.indirect.gather @!p0 [hbm4b:s3+s29], $0x20, s28, s29, $0xb8;
	[tilespmem:$0x14400] =	vst v63  }
0x127: {  	_ =	swait.ge [sflag:s17], $0x3400  }
0x128: {  	[sflag:s17] =	ssyncset.done $0x0  }
0x129: {  	s29 =	simm.s32 $0x9DA0;
	[sflag:s17] =	ssyncadd.s32 $0xFFFFCC00  }
0x12a: {  	v2 =	vld [tilespmem:s29+$0xFFFFFE90]  }
0x12b: {  	v3 =	vld [tilespmem:s29+$0xFFFFFE80]  }
0x12c: {  	v4 =	vld [tilespmem:s29+$0xFFFFFE60]  }
0x12d: {  	v1 =	vmov s24;
	s28 =	simm.s32 $0x0;
	s30 =	simm.s32 $0x80;
	v5 =	vld [tilespmem:s29+$0xFFFFFE70]  }
.LBB2_9:
0x12e: {  	p1 =	sne.s32 s30, $0x780;
	v6 =	vld [tilespmem:s29+$0xFFFFFEA0]  }
0x12f: {  	v7 =	vld [tilespmem:s29+$0xFFFFFEB0]  }
0x130: {  	v8 =	vld [tilespmem:s29+$0xFFFFFEC0]  }
0x131: {  	v3 =	vadd.f32 v3, v4;
	v4 =	vld [tilespmem:s29+$0xFFFFFED0]  }
0x132: {  	v2 =	vadd.f32 v2, v5;
	v5 =	vld [tilespmem:s29+$0xFFFFFEE0]  }
0x133: {  	v3 =	vadd.f32 v6, v3;
	v6 =	vld [tilespmem:s29+$0xFFFFFEF0]  }
0x134: {  	v2 =	vadd.f32 v7, v2;
	v7 =	vld [tilespmem:s29+$0xFFFFFF00]  }
0x135: {  	v3 =	vadd.f32 v8, v3;
	v8 =	vld [tilespmem:s29+$0xFFFFFF10]  }
0x136: {  	v2 =	vadd.f32 v4, v2;
	v4 =	vld [tilespmem:s29+$0xFFFFFF20]  }
0x137: {  	v3 =	vadd.f32 v5, v3;
	v5 =	vld [tilespmem:s29+$0xFFFFFF30]  }
0x138: {  	v2 =	vadd.f32 v6, v2;
	v6 =	vld [tilespmem:s29+$0xFFFFFF40]  }
0x139: {  	v3 =	vadd.f32 v7, v3;
	v7 =	vld [tilespmem:s29+$0xFFFFFF50]  }
0x13a: {  	v2 =	vadd.f32 v8, v2;
	v8 =	vld [tilespmem:s29+$0xFFFFFF60]  }
0x13b: {  	v3 =	vadd.f32 v4, v3;
	v4 =	vld [tilespmem:s29+$0xFFFFFF70]  }
0x13c: {  	v2 =	vadd.f32 v5, v2;
	v5 =	vld [tilespmem:s29+$0xFFFFFF80]  }
0x13d: {  	v3 =	vadd.f32 v6, v3;
	v6 =	vld [tilespmem:s29+$0xFFFFFF90]  }
0x13e: {  	v2 =	vadd.f32 v7, v2;
	v7 =	vld [tilespmem:s29+$0xFFFFFFA0]  }
0x13f: {  	v3 =	vadd.f32 v8, v3;
	v8 =	vld [tilespmem:s29+$0xFFFFFFB0]  }
0x140: {  	v2 =	vadd.f32 v4, v2;
	v4 =	vld [tilespmem:s29+$0xFFFFFFC0]  }
0x141: {  	v3 =	vadd.f32 v5, v3;
	v5 =	vld [tilespmem:s29+$0xFFFFFFD0]  }
0x142: {  	v2 =	vadd.f32 v6, v2;
	v6 =	vld [tilespmem:s29+$0xFFFFFFE0]  }
0x143: {  	v3 =	vadd.f32 v7, v3;
	v7 =	vld [tilespmem:s29+$0xFFFFFFF0]  }
0x144: {  	v2 =	vadd.f32 v8, v2;
	v8 =	vld [tilespmem:s29+$0x0]  }
0x145: {  	v3 =	vadd.f32 v4, v3;
	v4 =	vld [tilespmem:s29+$0x10]  }
0x146: {  	v2 =	vadd.f32 v5, v2;
	v5 =	vld [tilespmem:s29+$0x20]  }
0x147: {  	v3 =	vadd.f32 v6, v3;
	v6 =	vld [tilespmem:s29+$0x30]  }
0x148: {  	v2 =	vadd.f32 v7, v2;
	v7 =	vld [tilespmem:s29+$0x40]  }
0x149: {  	v3 =	vadd.f32 v8, v3;
	v8 =	vld [tilespmem:s29+$0x50]  }
0x14a: {  	v2 =	vadd.f32 v4, v2;
	v4 =	vld [tilespmem:s29+$0x60]  }
0x14b: {  	v3 =	vadd.f32 v5, v3;
	v5 =	vld [tilespmem:s29+$0x70]  }
0x14c: {  	v2 =	vadd.f32 v6, v2;
	v6 =	vld [tilespmem:s29+$0x80]  }
0x14d: {  	v3 =	vadd.f32 v7, v3;
	v7 =	vld [tilespmem:s29+$0x90]  }
0x14e: {  	v2 =	vadd.f32 v8, v2;
	v8 =	vld [tilespmem:s29+$0xA0]  }
0x14f: {  	v3 =	vadd.f32 v4, v3;
	v4 =	vld [tilespmem:s29+$0xB0]  }
0x150: {  	v2 =	vadd.f32 v5, v2;
	v5 =	vld [tilespmem:s29+$0xC0]  }
0x151: {  	v3 =	vadd.f32 v6, v3;
	v6 =	vld [tilespmem:s29+$0xD0]  }
0x152: {  	v2 =	vadd.f32 v7, v2;
	v7 =	vld [tilespmem:s29+$0xE0]  }
0x153: {  	v3 =	vadd.f32 v8, v3;
	v8 =	vld [tilespmem:s29+$0xF0]  }
0x154: {  	v2 =	vadd.f32 v4, v2;
	v4 =	vld [tilespmem:s29+$0x100]  }
0x155: {  	v3 =	vadd.f32 v5, v3;
	v5 =	vld [tilespmem:s29+$0x110]  }
0x156: {  	v2 =	vadd.f32 v6, v2;
	v6 =	vld [tilespmem:s29+$0x120]  }
0x157: {  	v3 =	vadd.f32 v7, v3;
	v7 =	vld [tilespmem:s29+$0x130]  }
0x158: {  	v2 =	vadd.f32 v8, v2;
	v8 =	vld [tilespmem:s29+$0x140]  }
0x159: {  	v3 =	vadd.f32 v4, v3;
	v4 =	vld [tilespmem:s29+$0x150]  }
0x15a: {  	v2 =	vadd.f32 v5, v2;
	v5 =	vld [tilespmem:s29+$0x160]  }
0x15b: {  	v3 =	vadd.f32 v6, v3;
	v6 =	vld [tilespmem:s29+$0x170]  }
0x15c: {  	v2 =	vadd.f32 v7, v2;
	v7 =	vld [tilespmem:s29+$0x180]  }
0x15d: {  	v3 =	vadd.f32 v8, v3;
	v8 =	vld [tilespmem:s29+$0x190]  }
0x15e: {  	v2 =	vadd.f32 v4, v2  }
0x15f: {  	v3 =	vadd.f32 v5, v3  }
0x160: {  	v2 =	vadd.f32 v6, v2  }
0x161: {  	v3 =	vadd.f32 v7, v3  }
0x162: {  	s31 =	sshra.s32 s28, $0x2;
	s28 =	smov.u32 s30;
	v2 =	vadd.f32 v8, v2  }
0x163: {  	[tilespmem:v1+s31+$0xFFFFFFF0 ss:$0x1] =	vst.idx.msk $0xffff, v3  }
.Ltmp5:
0x164: {  	s29 =	sadd.s32 $0x340, s29;
	[tilespmem:v1+s31+$0x0 ss:$0x1] =	vst.idx.msk $0xffff, v2;
	(pc) =	sbr.rel @p1 .LBB2_9-.Ltmp5, $4  }
0x165: {  	v2 =	vld [tilespmem:s29+$0xFFFFFE90]  }
0x166: {  	v3 =	vld [tilespmem:s29+$0xFFFFFE80]  }
0x167: {  	v4 =	vld [tilespmem:s29+$0xFFFFFE60]  }
0x168: {  	s30 =	sadd.s32 $0x80, s30;
	v5 =	vld [tilespmem:s29+$0xFFFFFE70]  }
0x169: {  	v6 =	vld [tilespmem:s29+$0xFFFFFEA0]  }
0x16a: {  	v7 =	vld [tilespmem:s29+$0xFFFFFEB0]  }
0x16b: {  	v8 =	vld [tilespmem:s29+$0xFFFFFEC0]  }
0x16c: {  	v3 =	vadd.f32 v3, v4;
	v4 =	vld [tilespmem:s29+$0xFFFFFED0]  }
0x16d: {  	v2 =	vadd.f32 v2, v5;
	v5 =	vld [tilespmem:s29+$0xFFFFFEE0]  }
0x16e: {  	v3 =	vadd.f32 v6, v3;
	v6 =	vld [tilespmem:s29+$0xFFFFFEF0]  }
0x16f: {  	v2 =	vadd.f32 v7, v2;
	v7 =	vld [tilespmem:s29+$0xFFFFFF00]  }
0x170: {  	v55 =	vld [tilespmem:s29+$0xFFFFFF10];
	v3 =	vadd.f32 v8, v3  }
0x171: {  	v2 =	vadd.f32 v4, v2;
	v4 =	vld [tilespmem:s29+$0xFFFFFF20]  }
0x172: {  	v3 =	vadd.f32 v5, v3;
	v5 =	vld [tilespmem:s29+$0xFFFFFF30]  }
0x173: {  	v2 =	vadd.f32 v6, v2;
	v6 =	vld [tilespmem:s29+$0xFFFFFF40]  }
0x174: {  	v3 =	vadd.f32 v7, v3;
	v7 =	vld [tilespmem:s29+$0xFFFFFF50]  }
0x175: {  	v56 =	vld [tilespmem:s29+$0xFFFFFF60];
	v2 =	vadd.f32 v55, v2  }
0x176: {  	v3 =	vadd.f32 v4, v3;
	v4 =	vld [tilespmem:s29+$0xFFFFFF70]  }
0x177: {  	v2 =	vadd.f32 v5, v2;
	v5 =	vld [tilespmem:s29+$0xFFFFFF80]  }
0x178: {  	v3 =	vadd.f32 v6, v3;
	v6 =	vld [tilespmem:s29+$0xFFFFFF90]  }
0x179: {  	v2 =	vadd.f32 v7, v2;
	v7 =	vld [tilespmem:s29+$0xFFFFFFA0]  }
0x17a: {  	v57 =	vld [tilespmem:s29+$0xFFFFFFB0];
	v3 =	vadd.f32 v56, v3  }
0x17b: {  	v2 =	vadd.f32 v4, v2;
	v4 =	vld [tilespmem:s29+$0xFFFFFFC0]  }
0x17c: {  	v3 =	vadd.f32 v5, v3;
	v5 =	vld [tilespmem:s29+$0xFFFFFFD0]  }
0x17d: {  	v2 =	vadd.f32 v6, v2;
	v6 =	vld [tilespmem:s29+$0xFFFFFFE0]  }
0x17e: {  	v3 =	vadd.f32 v7, v3;
	v7 =	vld [tilespmem:s29+$0xFFFFFFF0]  }
0x17f: {  	v58 =	vld [tilespmem:s29+$0x0];
	v2 =	vadd.f32 v57, v2  }
0x180: {  	v3 =	vadd.f32 v4, v3;
	v4 =	vld [tilespmem:s29+$0x10]  }
0x181: {  	v2 =	vadd.f32 v5, v2;
	v5 =	vld [tilespmem:s29+$0x20]  }
0x182: {  	v3 =	vadd.f32 v6, v3;
	v6 =	vld [tilespmem:s29+$0x30]  }
0x183: {  	v2 =	vadd.f32 v7, v2;
	v7 =	vld [tilespmem:s29+$0x40]  }
0x184: {  	v59 =	vld [tilespmem:s29+$0x50];
	v3 =	vadd.f32 v58, v3  }
0x185: {  	v2 =	vadd.f32 v4, v2;
	v4 =	vld [tilespmem:s29+$0x60]  }
0x186: {  	v3 =	vadd.f32 v5, v3;
	v5 =	vld [tilespmem:s29+$0x70]  }
0x187: {  	v2 =	vadd.f32 v6, v2;
	v6 =	vld [tilespmem:s29+$0x80]  }
0x188: {  	v3 =	vadd.f32 v7, v3;
	v7 =	vld [tilespmem:s29+$0x90]  }
0x189: {  	v60 =	vld [tilespmem:s29+$0xA0];
	v2 =	vadd.f32 v59, v2  }
0x18a: {  	v3 =	vadd.f32 v4, v3;
	v4 =	vld [tilespmem:s29+$0xB0]  }
0x18b: {  	v2 =	vadd.f32 v5, v2;
	v5 =	vld [tilespmem:s29+$0xC0]  }
0x18c: {  	v3 =	vadd.f32 v6, v3;
	v6 =	vld [tilespmem:s29+$0xD0]  }
0x18d: {  	v2 =	vadd.f32 v7, v2;
	v7 =	vld [tilespmem:s29+$0xE0]  }
0x18e: {  	v61 =	vld [tilespmem:s29+$0xF0];
	v3 =	vadd.f32 v60, v3  }
0x18f: {  	v2 =	vadd.f32 v4, v2;
	v4 =	vld [tilespmem:s29+$0x100]  }
0x190: {  	v3 =	vadd.f32 v5, v3;
	v5 =	vld [tilespmem:s29+$0x110]  }
0x191: {  	v2 =	vadd.f32 v6, v2;
	v6 =	vld [tilespmem:s29+$0x120]  }
0x192: {  	v3 =	vadd.f32 v7, v3;
	v7 =	vld [tilespmem:s29+$0x130]  }
0x193: {  	v62 =	vld [tilespmem:s29+$0x140];
	v2 =	vadd.f32 v61, v2  }
0x194: {  	v3 =	vadd.f32 v4, v3;
	v4 =	vld [tilespmem:s29+$0x150]  }
0x195: {  	v2 =	vadd.f32 v5, v2;
	v5 =	vld [tilespmem:s29+$0x160]  }
0x196: {  	v3 =	vadd.f32 v6, v3;
	v6 =	vld [tilespmem:s29+$0x170]  }
0x197: {  	v2 =	vadd.f32 v7, v2;
	v7 =	vld [tilespmem:s29+$0x180]  }
0x198: {  	v63 =	vld [tilespmem:s29+$0x190];
	v3 =	vadd.f32 v62, v3  }
0x199: {  	v2 =	vadd.f32 v4, v2  }
0x19a: {  	v3 =	vadd.f32 v5, v3  }
0x19b: {  	v2 =	vadd.f32 v6, v2  }
0x19c: {  	v3 =	vadd.f32 v7, v3  }
0x19d: {  	s28 =	sshra.s32 s28, $0x2;
	v2 =	vadd.f32 v63, v2  }
0x19e: {  	[tilespmem:v1+s28+$0xFFFFFFF0 ss:$0x1] =	vst.idx.msk $0xffff, v3  }
0x19f: {  	s26 =	sadd.s32 @!p0 $0x9C0, s26;
	s29 =	simm.s32 @!p0 $0x9C00;
	[tilespmem:v1+s28+$0x0 ss:$0x1] =	vst.idx.msk $0xffff, v2;
	s28 =	simm.s32 @!p0 $0x1A0  }
0x1a0: {  	[tilespmem:s29], [sflag:$0x3] =	stream.indirect.gather @!p0 [hbm4b:s3+s28], $0x20, s26, s28, $0xb8;
	[tilespmem:$0x14400] =	vst v63  }
0x1a1: {  	_ =	swait.ge [sflag:s18], $0x3400  }
0x1a2: {  	[sflag:s18] =	ssyncset.done $0x0  }
0x1a3: {  	s28 =	simm.s32 $0xD1A0;
	[sflag:s18] =	ssyncadd.s32 $0xFFFFCC00  }
0x1a4: {  	v2 =	vld [tilespmem:s28+$0xFFFFFE90]  }
0x1a5: {  	v3 =	vld [tilespmem:s28+$0xFFFFFE80]  }
0x1a6: {  	v4 =	vld [tilespmem:s28+$0xFFFFFE60]  }
0x1a7: {  	v1 =	vmov s25;
	s26 =	simm.s32 $0x0;
	s29 =	simm.s32 $0x80;
	v5 =	vld [tilespmem:s28+$0xFFFFFE70]  }
.LBB2_11:
0x1a8: {  	p1 =	sne.s32 s29, $0x780;
	v6 =	vld [tilespmem:s28+$0xFFFFFEA0]  }
0x1a9: {  	v7 =	vld [tilespmem:s28+$0xFFFFFEB0]  }
0x1aa: {  	v8 =	vld [tilespmem:s28+$0xFFFFFEC0]  }
0x1ab: {  	v3 =	vadd.f32 v3, v4;
	v4 =	vld [tilespmem:s28+$0xFFFFFED0]  }
0x1ac: {  	v2 =	vadd.f32 v2, v5;
	v5 =	vld [tilespmem:s28+$0xFFFFFEE0]  }
0x1ad: {  	v3 =	vadd.f32 v6, v3;
	v6 =	vld [tilespmem:s28+$0xFFFFFEF0]  }
0x1ae: {  	v2 =	vadd.f32 v7, v2;
	v7 =	vld [tilespmem:s28+$0xFFFFFF00]  }
0x1af: {  	v3 =	vadd.f32 v8, v3;
	v8 =	vld [tilespmem:s28+$0xFFFFFF10]  }
0x1b0: {  	v2 =	vadd.f32 v4, v2;
	v4 =	vld [tilespmem:s28+$0xFFFFFF20]  }
0x1b1: {  	v3 =	vadd.f32 v5, v3;
	v5 =	vld [tilespmem:s28+$0xFFFFFF30]  }
0x1b2: {  	v2 =	vadd.f32 v6, v2;
	v6 =	vld [tilespmem:s28+$0xFFFFFF40]  }
0x1b3: {  	v3 =	vadd.f32 v7, v3;
	v7 =	vld [tilespmem:s28+$0xFFFFFF50]  }
0x1b4: {  	v2 =	vadd.f32 v8, v2;
	v8 =	vld [tilespmem:s28+$0xFFFFFF60]  }
0x1b5: {  	v3 =	vadd.f32 v4, v3;
	v4 =	vld [tilespmem:s28+$0xFFFFFF70]  }
0x1b6: {  	v2 =	vadd.f32 v5, v2;
	v5 =	vld [tilespmem:s28+$0xFFFFFF80]  }
0x1b7: {  	v3 =	vadd.f32 v6, v3;
	v6 =	vld [tilespmem:s28+$0xFFFFFF90]  }
0x1b8: {  	v2 =	vadd.f32 v7, v2;
	v7 =	vld [tilespmem:s28+$0xFFFFFFA0]  }
0x1b9: {  	v3 =	vadd.f32 v8, v3;
	v8 =	vld [tilespmem:s28+$0xFFFFFFB0]  }
0x1ba: {  	v2 =	vadd.f32 v4, v2;
	v4 =	vld [tilespmem:s28+$0xFFFFFFC0]  }
0x1bb: {  	v3 =	vadd.f32 v5, v3;
	v5 =	vld [tilespmem:s28+$0xFFFFFFD0]  }
0x1bc: {  	v2 =	vadd.f32 v6, v2;
	v6 =	vld [tilespmem:s28+$0xFFFFFFE0]  }
0x1bd: {  	v3 =	vadd.f32 v7, v3;
	v7 =	vld [tilespmem:s28+$0xFFFFFFF0]  }
0x1be: {  	v2 =	vadd.f32 v8, v2;
	v8 =	vld [tilespmem:s28+$0x0]  }
0x1bf: {  	v3 =	vadd.f32 v4, v3;
	v4 =	vld [tilespmem:s28+$0x10]  }
0x1c0: {  	v2 =	vadd.f32 v5, v2;
	v5 =	vld [tilespmem:s28+$0x20]  }
0x1c1: {  	v3 =	vadd.f32 v6, v3;
	v6 =	vld [tilespmem:s28+$0x30]  }
0x1c2: {  	v2 =	vadd.f32 v7, v2;
	v7 =	vld [tilespmem:s28+$0x40]  }
0x1c3: {  	v3 =	vadd.f32 v8, v3;
	v8 =	vld [tilespmem:s28+$0x50]  }
0x1c4: {  	v2 =	vadd.f32 v4, v2;
	v4 =	vld [tilespmem:s28+$0x60]  }
0x1c5: {  	v3 =	vadd.f32 v5, v3;
	v5 =	vld [tilespmem:s28+$0x70]  }
0x1c6: {  	v2 =	vadd.f32 v6, v2;
	v6 =	vld [tilespmem:s28+$0x80]  }
0x1c7: {  	v3 =	vadd.f32 v7, v3;
	v7 =	vld [tilespmem:s28+$0x90]  }
0x1c8: {  	v2 =	vadd.f32 v8, v2;
	v8 =	vld [tilespmem:s28+$0xA0]  }
0x1c9: {  	v3 =	vadd.f32 v4, v3;
	v4 =	vld [tilespmem:s28+$0xB0]  }
0x1ca: {  	v2 =	vadd.f32 v5, v2;
	v5 =	vld [tilespmem:s28+$0xC0]  }
0x1cb: {  	v3 =	vadd.f32 v6, v3;
	v6 =	vld [tilespmem:s28+$0xD0]  }
0x1cc: {  	v2 =	vadd.f32 v7, v2;
	v7 =	vld [tilespmem:s28+$0xE0]  }
0x1cd: {  	v3 =	vadd.f32 v8, v3;
	v8 =	vld [tilespmem:s28+$0xF0]  }
0x1ce: {  	v2 =	vadd.f32 v4, v2;
	v4 =	vld [tilespmem:s28+$0x100]  }
0x1cf: {  	v3 =	vadd.f32 v5, v3;
	v5 =	vld [tilespmem:s28+$0x110]  }
0x1d0: {  	v2 =	vadd.f32 v6, v2;
	v6 =	vld [tilespmem:s28+$0x120]  }
0x1d1: {  	v3 =	vadd.f32 v7, v3;
	v7 =	vld [tilespmem:s28+$0x130]  }
0x1d2: {  	v2 =	vadd.f32 v8, v2;
	v8 =	vld [tilespmem:s28+$0x140]  }
0x1d3: {  	v3 =	vadd.f32 v4, v3;
	v4 =	vld [tilespmem:s28+$0x150]  }
0x1d4: {  	v2 =	vadd.f32 v5, v2;
	v5 =	vld [tilespmem:s28+$0x160]  }
0x1d5: {  	v3 =	vadd.f32 v6, v3;
	v6 =	vld [tilespmem:s28+$0x170]  }
0x1d6: {  	v2 =	vadd.f32 v7, v2;
	v7 =	vld [tilespmem:s28+$0x180]  }
0x1d7: {  	v3 =	vadd.f32 v8, v3;
	v8 =	vld [tilespmem:s28+$0x190]  }
0x1d8: {  	v2 =	vadd.f32 v4, v2  }
0x1d9: {  	v3 =	vadd.f32 v5, v3  }
0x1da: {  	v2 =	vadd.f32 v6, v2  }
0x1db: {  	v3 =	vadd.f32 v7, v3  }
0x1dc: {  	s30 =	sshra.s32 s26, $0x2;
	s26 =	smov.u32 s29;
	v2 =	vadd.f32 v8, v2  }
0x1dd: {  	[tilespmem:v1+s30+$0xFFFFFFF0 ss:$0x1] =	vst.idx.msk $0xffff, v3  }
.Ltmp6:
0x1de: {  	s28 =	sadd.s32 $0x340, s28;
	[tilespmem:v1+s30+$0x0 ss:$0x1] =	vst.idx.msk $0xffff, v2;
	(pc) =	sbr.rel @p1 .LBB2_11-.Ltmp6, $4  }
0x1df: {  	v2 =	vld [tilespmem:s28+$0xFFFFFE90]  }
0x1e0: {  	v3 =	vld [tilespmem:s28+$0xFFFFFE80]  }
0x1e1: {  	v4 =	vld [tilespmem:s28+$0xFFFFFE60]  }
0x1e2: {  	s29 =	sadd.s32 $0x80, s29;
	v5 =	vld [tilespmem:s28+$0xFFFFFE70]  }
0x1e3: {  	v6 =	vld [tilespmem:s28+$0xFFFFFEA0]  }
0x1e4: {  	v7 =	vld [tilespmem:s28+$0xFFFFFEB0]  }
0x1e5: {  	v8 =	vld [tilespmem:s28+$0xFFFFFEC0]  }
0x1e6: {  	v19 =	vld [tilespmem:s28+$0xFFFFFED0];
	v3 =	vadd.f32 v3, v4  }
0x1e7: {  	v20 =	vld [tilespmem:s28+$0xFFFFFEE0];
	v2 =	vadd.f32 v2, v5  }
0x1e8: {  	v21 =	vld [tilespmem:s28+$0xFFFFFEF0];
	v3 =	vadd.f32 v6, v3  }
0x1e9: {  	v22 =	vld [tilespmem:s28+$0xFFFFFF00];
	v2 =	vadd.f32 v7, v2  }
0x1ea: {  	v23 =	vld [tilespmem:s28+$0xFFFFFF10];
	v3 =	vadd.f32 v8, v3  }
0x1eb: {  	v24 =	vld [tilespmem:s28+$0xFFFFFF20];
	v2 =	vadd.f32 v19, v2  }
0x1ec: {  	v25 =	vld [tilespmem:s28+$0xFFFFFF30];
	v3 =	vadd.f32 v20, v3  }
0x1ed: {  	v26 =	vld [tilespmem:s28+$0xFFFFFF40];
	v2 =	vadd.f32 v21, v2  }
0x1ee: {  	v27 =	vld [tilespmem:s28+$0xFFFFFF50];
	v3 =	vadd.f32 v22, v3  }
0x1ef: {  	v28 =	vld [tilespmem:s28+$0xFFFFFF60];
	v2 =	vadd.f32 v23, v2  }
0x1f0: {  	v29 =	vld [tilespmem:s28+$0xFFFFFF70];
	v3 =	vadd.f32 v24, v3  }
0x1f1: {  	v30 =	vld [tilespmem:s28+$0xFFFFFF80];
	v2 =	vadd.f32 v25, v2  }
0x1f2: {  	v31 =	vld [tilespmem:s28+$0xFFFFFF90];
	v3 =	vadd.f32 v26, v3  }
0x1f3: {  	v32 =	vld [tilespmem:s28+$0xFFFFFFA0];
	v2 =	vadd.f32 v27, v2  }
0x1f4: {  	v33 =	vld [tilespmem:s28+$0xFFFFFFB0];
	v3 =	vadd.f32 v28, v3  }
0x1f5: {  	v34 =	vld [tilespmem:s28+$0xFFFFFFC0];
	v2 =	vadd.f32 v29, v2  }
0x1f6: {  	v35 =	vld [tilespmem:s28+$0xFFFFFFD0];
	v3 =	vadd.f32 v30, v3  }
0x1f7: {  	v36 =	vld [tilespmem:s28+$0xFFFFFFE0];
	v2 =	vadd.f32 v31, v2  }
0x1f8: {  	v37 =	vld [tilespmem:s28+$0xFFFFFFF0];
	v3 =	vadd.f32 v32, v3  }
0x1f9: {  	v38 =	vld [tilespmem:s28+$0x0];
	v2 =	vadd.f32 v33, v2  }
0x1fa: {  	v39 =	vld [tilespmem:s28+$0x10];
	v3 =	vadd.f32 v34, v3  }
0x1fb: {  	v40 =	vld [tilespmem:s28+$0x20];
	v2 =	vadd.f32 v35, v2  }
0x1fc: {  	v41 =	vld [tilespmem:s28+$0x30];
	v3 =	vadd.f32 v36, v3  }
0x1fd: {  	v42 =	vld [tilespmem:s28+$0x40];
	v2 =	vadd.f32 v37, v2  }
0x1fe: {  	v43 =	vld [tilespmem:s28+$0x50];
	v3 =	vadd.f32 v38, v3  }
0x1ff: {  	v44 =	vld [tilespmem:s28+$0x60];
	v2 =	vadd.f32 v39, v2  }
0x200: {  	v45 =	vld [tilespmem:s28+$0x70];
	v3 =	vadd.f32 v40, v3  }
0x201: {  	v46 =	vld [tilespmem:s28+$0x80];
	v2 =	vadd.f32 v41, v2  }
0x202: {  	v47 =	vld [tilespmem:s28+$0x90];
	v3 =	vadd.f32 v42, v3  }
0x203: {  	v48 =	vld [tilespmem:s28+$0xA0];
	v2 =	vadd.f32 v43, v2  }
0x204: {  	v49 =	vld [tilespmem:s28+$0xB0];
	v3 =	vadd.f32 v44, v3  }
0x205: {  	v50 =	vld [tilespmem:s28+$0xC0];
	v2 =	vadd.f32 v45, v2  }
0x206: {  	v51 =	vld [tilespmem:s28+$0xD0];
	v3 =	vadd.f32 v46, v3  }
0x207: {  	v52 =	vld [tilespmem:s28+$0xE0];
	v2 =	vadd.f32 v47, v2  }
0x208: {  	v53 =	vld [tilespmem:s28+$0xF0];
	v3 =	vadd.f32 v48, v3  }
0x209: {  	v54 =	vld [tilespmem:s28+$0x100];
	v2 =	vadd.f32 v49, v2  }
0x20a: {  	v55 =	vld [tilespmem:s28+$0x110];
	v3 =	vadd.f32 v50, v3  }
0x20b: {  	v56 =	vld [tilespmem:s28+$0x120];
	v2 =	vadd.f32 v51, v2  }
0x20c: {  	v57 =	vld [tilespmem:s28+$0x130];
	v3 =	vadd.f32 v52, v3  }
0x20d: {  	v58 =	vld [tilespmem:s28+$0x140];
	v2 =	vadd.f32 v53, v2  }
0x20e: {  	v59 =	vld [tilespmem:s28+$0x150];
	v3 =	vadd.f32 v54, v3  }
0x20f: {  	v60 =	vld [tilespmem:s28+$0x160];
	v2 =	vadd.f32 v55, v2  }
0x210: {  	v61 =	vld [tilespmem:s28+$0x170];
	v3 =	vadd.f32 v56, v3  }
0x211: {  	v62 =	vld [tilespmem:s28+$0x180];
	v2 =	vadd.f32 v57, v2  }
0x212: {  	v63 =	vld [tilespmem:s28+$0x190];
	v3 =	vadd.f32 v58, v3  }
0x213: {  	v2 =	vadd.f32 v59, v2  }
0x214: {  	v3 =	vadd.f32 v60, v3  }
.Ltmp7:
0x215: {  	v2 =	vadd.f32 v61, v2;
	(pc) =	sbr.rel @p0 .LBB2_14-.Ltmp7, $4  }
0x216: {  	v3 =	vadd.f32 v62, v3  }
0x217: {  	s26 =	sshra.s32 s26, $0x2;
	v2 =	vadd.f32 v63, v2  }
0x218: {  	[tilespmem:v1+s26+$0xFFFFFFF0 ss:$0x1] =	vst.idx.msk $0xffff, v3  }
0x219: {  	[tilespmem:v1+s26+$0x0 ss:$0x1] =	vst.idx.msk $0xffff, v2  }
0x21a: {  	s26 =	smul.u32 $0x1A00, s21  }
.Ltmp8:
0x21b: {  	_ = 	snop;
	(pc) =	sbr.rel .LBB2_4-.Ltmp8, $4  }
0x21c: {  	s21 =	sadd.s32 $0x1, s21  }
0x21d: {  	s22 =	sadd.s32 $0x800, s22;
	s23 =	sadd.s32 $0x800, s23;
	s26 =	sshra.s32 s26, $0x2  }
0x21e: {  	s24 =	sadd.s32 $0x800, s24;
	s25 =	sadd.s32 $0x800, s25;
	s26 =	sadd.s32 $0xB60, s26  }
0x21f: {  	[tilespmem:s14], [sflag:$0x4] =	stream.indirect.gather [hbm4b:s3+s8], $0x20, s26, s8, $0xb8;
	[tilespmem:$0x14400] =	vst v63  }
.LBB2_15:
0x220: {  	_ =	sfence.sel $0x180000  }
0x221: {  	[bflag:$0x0] =	sbarrier.arrive $0xFFFF  }
0x222: {  	p0 =	sne.s32 s0, $0x0;
	_ =	strace $0x90000047  }
0x223: {  	s0 =	sadd.s32 @!p0 $0x100000, s1;
	[bflag:$0x2] =	sbarrier.arrive $0xFFFF  }
0x224: {  	[sflag:s0] =	ssyncadd.tile.s32 @!p0 $0x1;
	_ =	shalt  }
.Lfunc_end2:
_tile_overlayer_lowered:
.L_overlay_start_2:
0x225: {  	(tag) =	ssettag $0x2  }
0x226: {  	s0 =	rddreg [dreg:$0x0];
	s2 =	stileid.u32  }
0x227: {  	s1 =	rddreg [dreg:$0x1];
	p0 =	sne.s32 s2, $0x0  }
0x228: {  	s3 =	rddreg [dreg:$0x2];
	[bflag:$0x3] =	sbarrier.arrive $0xFFFF;
	s2 =	simm.s32 @!p0 $0x1C05  }
0x229: {  	[timem:s3], [sflag:s2] =	dma.local @!p0 [hbm:s0], s1  }
0x22a: {  	s0 =	simm.s32 @!p0 $0x5  }
0x22b: {  	_ =	swait.ge @!p0 [sflag:s0], s1  }
0x22c: {  	s1 =	ssub.s32 @!p0 $0x0, s1;
	[sflag:s0] =	ssyncset.done @!p0 $0x0  }
0x22d: {  	[sflag:s0] =	ssyncadd.s32 @!p0 s1  }
0x22e: {  	[bflag:$0x3] =	sbarrier.arrive $0xFFFF  }
0x22f: {  	_ =	shalt  }

</sc_bundles>
